<compile_context>
chip_gen: v7x
topology: tpu7x:2x2x1
jax: 0.10.2.dev20260603
libtpu: 0.0.44.dev20260713+nightly
codegen_flags: <defaults>
</compile_context>

<pallas_src>
import functools

import jax
import jax.numpy as jnp
from jax import lax
from jax.experimental import pallas as pl
from jax.experimental.pallas import tpu as pltpu
from jax.experimental.pallas import tpu_sc as plsc

_EPS = 1e-09
_GATHER_ROWS = 320
_SLABS_PER_BLOCK = 32


def _sc_gather(token_table, idx2d, seq):
    d = token_table.shape[1]
    n = idx2d.shape[0]
    num_workers = 32
    per_w = n // num_workers
    half = per_w // 2
    steps = half // _GATHER_ROWS
    mesh = plsc.VectorSubcoreMesh(core_axis_name="c", subcore_axis_name="s")

    @functools.partial(
        pl.kernel,
        out_type=jax.ShapeDtypeStruct((n // 2, 2 * d), token_table.dtype),
        mesh=mesh,
        scratch_types=[
            pltpu.VMEM((per_w,), jnp.int32),
            pltpu.VMEM((_GATHER_ROWS, d), token_table.dtype),
            pltpu.VMEM((_GATHER_ROWS, d), token_table.dtype),
            pltpu.VMEM((_GATHER_ROWS, d), token_table.dtype),
            pltpu.VMEM((_GATHER_ROWS, d), token_table.dtype),
            pltpu.SemaphoreType.DMA,
            pltpu.SemaphoreType.DMA,
            pltpu.SemaphoreType.DMA,
            pltpu.SemaphoreType.DMA,
            pltpu.SemaphoreType.DMA,
            pltpu.SemaphoreType.DMA,
        ],
        compiler_params=pltpu.CompilerParams(use_tc_tiling_on_sc=False),
    )
    def gather_kernel(table_hbm, idx_hbm, out_hbm, idx_v,
                      rows_ap, rows_bp, rows_aq, rows_bq,
                      sga_p, sgb_p, sga_q, sgb_q, swo_p, swo_q):
        wid = lax.axis_index("s") * 2 + lax.axis_index("c")
        out_row0 = wid * half
        g = _GATHER_ROWS
        pltpu.sync_copy(idx_hbm.at[pl.ds(wid * per_w, per_w)], idx_v)

        def gath(k, ra, rb, sa, sb):
            pltpu.async_copy(table_hbm.at[idx_v.at[pl.ds(k * g, g)]],
                             ra, sa)
            pltpu.async_copy(table_hbm.at[idx_v.at[pl.ds(half + k * g, g)]],
                             rb, sb)

        def gath_wait(k, ra, rb, sa, sb):
            pltpu.make_async_copy(
                table_hbm.at[idx_v.at[pl.ds(k * g, g)]], ra, sa).wait()
            pltpu.make_async_copy(
                table_hbm.at[idx_v.at[pl.ds(half + k * g, g)]],
                rb, sb).wait()

        def wb(k, ra, rb, so):
            rows = pl.ds(out_row0 + k * g, g)
            pltpu.async_copy(ra, out_hbm.at[rows, pl.ds(0, d)], so)
            pltpu.async_copy(rb, out_hbm.at[rows, pl.ds(d, d)], so)

        def wb_wait(k, ra, rb, so):
            rows = pl.ds(out_row0 + k * g, g)
            pltpu.make_async_copy(
                ra, out_hbm.at[rows, pl.ds(0, d)], so).wait()
            pltpu.make_async_copy(
                rb, out_hbm.at[rows, pl.ds(d, d)], so).wait()

        st2 = steps // 2
        gath(0, rows_ap, rows_bp, sga_p, sgb_p)

        @pl.loop(0, st2)
        def _(i):
            k0 = 2 * i
            k1 = k0 + 1

            @pl.when(i > 0)
            def _():
                wb_wait(k0 - 1, rows_aq, rows_bq, swo_q)

            gath(k1, rows_aq, rows_bq, sga_q, sgb_q)
            gath_wait(k0, rows_ap, rows_bp, sga_p, sgb_p)
            wb(k0, rows_ap, rows_bp, swo_p)
            gath_wait(k1, rows_aq, rows_bq, sga_q, sgb_q)
            wb(k1, rows_aq, rows_bq, swo_q)
            wb_wait(k0, rows_ap, rows_bp, swo_p)

            @pl.when(i < st2 - 1)
            def _():
                gath(k0 + 2, rows_ap, rows_bp, sga_p, sgb_p)

        wb_wait(steps - 1, rows_aq, rows_bq, swo_q)

    return gather_kernel(token_table, idx2d)


def _flatten_body(group, in_ref, out_ref):
    n_rows, seq = in_ref.shape
    for g in range(0, n_rows, group):
        flat = jnp.concatenate([in_ref[g + j, :] for j in range(group)])
        out_ref[pl.ds(g * seq, group * seq)] = flat


def _tc_flatten(x2d):
    batch, seq = x2d.shape
    block = 512
    group = 16
    return pl.pallas_call(
        functools.partial(_flatten_body, group),
        grid=(batch // block,),
        in_specs=[pl.BlockSpec((block, seq), lambda i: (i, 0))],
        out_specs=pl.BlockSpec((block * seq,), lambda i: (i,)),
        out_shape=jax.ShapeDtypeStruct((batch * seq,), jnp.int32),
    )(x2d)


def _ln_body(seq, d, h_ref, pos_ref, b_ref, out_ref):
    rows = pos_ref.shape[0]
    bvec = b_ref[...]
    sign = jnp.where(
        lax.broadcasted_iota(jnp.int32, (rows, 2 * d), 1) < d, 1.0, -1.0
    )
    for p in range(_SLABS_PER_BLOCK * seq // rows):
        r0 = p * rows
        h = h_ref[pl.ds(r0, rows), :] + pos_ref[...]
        hs = h * sign
        hh = h * h
        hhs = hs * h
        s_all = jnp.sum(h, axis=-1, keepdims=True)
        s_sgn = jnp.sum(hs, axis=-1, keepdims=True)
        q_all = jnp.sum(hh, axis=-1, keepdims=True)
        q_sgn = jnp.sum(hhs, axis=-1, keepdims=True)
        mean = (s_all + sign * s_sgn) * (0.5 / d)
        qh = (q_all + sign * q_sgn) * 0.5
        var_sum = qh - mean * mean * d
        scale = lax.rsqrt(var_sum * (1.0 / (d - 1)) + _EPS * _EPS)
        out = (h - mean) * scale + bvec
        out_ref[0, pl.ds(r0, rows), :] = out[:, :d]
        out_ref[1, pl.ds(r0, rows), :] = out[:, d:]


def _tc_layernorm(h_pair, pos_pair, b_pair, batch, seq, d):
    block_rows = seq * _SLABS_PER_BLOCK
    n_half = h_pair.shape[0]
    grid = n_half // block_rows
    half_span = n_half // 32
    bph = half_span // block_rows
    slab = pos_pair.shape[0]
    return pl.pallas_call(
        functools.partial(_ln_body, seq, d),
        grid=(grid,),
        in_specs=[
            pl.BlockSpec((block_rows, 2 * d), lambda i: (i, 0)),
            pl.BlockSpec((slab, 2 * d), lambda i: (0, 0)),
            pl.BlockSpec((1, 2 * d), lambda i: (0, 0)),
        ],
        out_specs=pl.BlockSpec(
            (2, block_rows, d), lambda i: (i // bph, i % bph, 0)
        ),
        out_shape=jax.ShapeDtypeStruct(
            (2 * n_half // half_span, half_span, d), jnp.float32),
    )(h_pair, pos_pair, b_pair)


def kernel(x, token_table, pos_table, a, b):
    batch, seq = x.shape
    d = token_table.shape[1]
    n = batch * seq
    idx2d = x.astype(jnp.int32).reshape(-1)
    gathered = _sc_gather(token_table, idx2d, seq)
    pos = pos_table[:seq]
    pos_pair = jnp.tile(jnp.concatenate([pos, pos], axis=1), (4, 1))
    b_pair = jnp.concatenate([b, b]).reshape(1, 2 * d)
    out = _tc_layernorm(gathered, pos_pair, b_pair, batch, seq, d)
    return out.reshape(batch, seq, d)

# --- scband reference (transcript-rebuilt; emitter-appended) ---
"""Pipeline reference for scband-embeddings-13649406066798 (READ-ONLY COPY).

The authoritative reference and input builder live on the scoring server;
editing this copy changes nothing except your own understanding.
"""

import jax, jax.numpy as jnp
import numpy as np

MODEL_DIM = 64
VOCAB_SIZE = 1000000
MAX_LEN = 300
BATCH = 4096
SEQ = 200
EPS = 1e-09


def setup_inputs(seed: int = 0) -> dict:
    key = jax.random.key(seed)
    k1, k2, k3 = jax.random.split(key, 3)
    x = jax.random.randint(k1, (BATCH, SEQ), 0, VOCAB_SIZE, dtype=jnp.int64 if jax.config.jax_enable_x64 else jnp.int32)
    token_table = jax.random.normal(k2, (VOCAB_SIZE, MODEL_DIM), dtype=jnp.float32) * 0.02
    pos_table = jax.random.normal(k3, (MAX_LEN, MODEL_DIM), dtype=jnp.float32) * 0.02
    a = jnp.ones((MODEL_DIM,), dtype=jnp.float32)
    b = jnp.zeros((MODEL_DIM,), dtype=jnp.float32)
    return {"x": x, "token_table": token_table, "pos_table": pos_table, "a": a, "b": b}


def reference(x, token_table, pos_table, a, b):
    # pos = arange(seq_len)
    seq_len = x.shape[1]
    pos = jnp.arange(seq_len)
    # embedding lookups (gather)
    h = jnp.take(token_table, x, axis=0) + jnp.take(pos_table, pos, axis=0)[None, :, :]
    # LayerNorm as in original module: note `a` is unused in its forward,
    # std is torch-style unbiased (ddof=1)
    mean = jnp.mean(h, axis=-1, keepdims=True)
    std = jnp.std(h, axis=-1, keepdims=True, ddof=1)
    return (h - mean) / (EPS + std) + b

if __name__ == "__main__":
    import jax
    _d = setup_inputs()
    print(jax.jit(kernel)(*tuple(_d.values())))

</pallas_src>

<mosaic_0001>
#map = affine_map<(d0, d1) -> (0, 0)>
#map1 = affine_map<(d0, d1) -> (0)>
module attributes {stable_mosaic.version = 14 : i64} {
  func.func @gather_kernel(%arg0: i32, %arg1: i32, %arg2: memref<1000000x64xf32, #tpu.memory_space<hbm>>, %arg3: memref<819200xi32, #tpu.memory_space<hbm>>, %arg4: memref<409600x128xf32, #tpu.memory_space<hbm>>, %arg5: memref<25600xi32, #tpu.memory_space<vmem>>, %arg6: memref<320x64xf32, #tpu.memory_space<vmem>>, %arg7: memref<320x64xf32, #tpu.memory_space<vmem>>, %arg8: memref<320x64xf32, #tpu.memory_space<vmem>>, %arg9: memref<320x64xf32, #tpu.memory_space<vmem>>, %arg10: memref<!tpu.dma_semaphore, #tpu.memory_space<semaphore_mem>>, %arg11: memref<!tpu.dma_semaphore, #tpu.memory_space<semaphore_mem>>, %arg12: memref<!tpu.dma_semaphore, #tpu.memory_space<semaphore_mem>>, %arg13: memref<!tpu.dma_semaphore, #tpu.memory_space<semaphore_mem>>, %arg14: memref<!tpu.dma_semaphore, #tpu.memory_space<semaphore_mem>>, %arg15: memref<!tpu.dma_semaphore, #tpu.memory_space<semaphore_mem>>) attributes {dimension_semantics = [#tpu.dimension_semantics<core_parallel>, #tpu.dimension_semantics<subcore_parallel>], iteration_bounds = array<i64: 2, 16>, scalar_prefetch = 0 : i64, scratch_operands = 11 : i64, tpu.core_type = #tpu.core_type<sc_vector_subcore>, window_params = [{transform_indices = #map}, {transform_indices = #map1}, {transform_indices = #map}]} {
    %mul3A = arith.constant 2 : i32
    %mul3A_0 = arith.muli %arg1, %mul3A : i32
    %add3A = arith.addi %mul3A_0, %arg0 : i32
    %mul3A_1 = arith.constant 12800 : i32
    %mul3A_2 = arith.muli %add3A, %mul3A_1 : i32
    %mul3A_3 = arith.constant 25600 : i32
    %mul3A_4 = arith.muli %add3A, %mul3A_3 : i32
    "tpu.region"() ({
      %run_scoped3A = tpu.sem_alloc : memref<!tpu.dma_semaphore, #tpu.memory_space<semaphore_mem>>
      %dma_start3A_27 = tpu.memref_slice %arg3[%mul3A_4] : memref<819200xi32, #tpu.memory_space<hbm>> -> memref<25600xi32, #tpu.memory_space<hbm>>
      %dma_start3A_28 = tpu.memref_slice %arg3[%mul3A_4] : memref<819200xi32, #tpu.memory_space<hbm>> -> memref<25600xi32, #tpu.memory_space<hbm>>
      tpu.enqueue_dma source(%dma_start3A_28 : memref<25600xi32, #tpu.memory_space<hbm>>) target(%arg5 : memref<25600xi32, #tpu.memory_space<vmem>>) target_semaphore(%run_scoped3A : memref<!tpu.dma_semaphore, #tpu.memory_space<semaphore_mem>>)
      %dma_wait3A_29 = tpu.memref_slice %arg3[%mul3A_4] : memref<819200xi32, #tpu.memory_space<hbm>> -> memref<25600xi32, #tpu.memory_space<hbm>>
      %dma_wait3A_30 = tpu.memref_slice %arg3[%mul3A_4] : memref<819200xi32, #tpu.memory_space<hbm>> -> memref<25600xi32, #tpu.memory_space<hbm>>
      tpu.wait_dma2 semaphore(%run_scoped3A : memref<!tpu.dma_semaphore, #tpu.memory_space<semaphore_mem>>) src(%dma_wait3A_30 : memref<25600xi32, #tpu.memory_space<hbm>>) dst(%arg5 : memref<25600xi32, #tpu.memory_space<vmem>>)
      tpu.yield
    }) : () -> ()
    %dma_start3A = arith.constant 0 : i32
    %dma_start3A_5 = tpu.memref_slice %arg5[%dma_start3A] : memref<25600xi32, #tpu.memory_space<vmem>> -> memref<320xi32, #tpu.memory_space<vmem>>
    %dma_start3A_6 = arith.constant 0 : i32
    %dma_start3A_7 = arith.constant 0 : i32
    %dma_start3A_8 = tpu.memref_slice %arg2[%dma_start3A_6, %dma_start3A_7] : memref<1000000x64xf32, #tpu.memory_space<hbm>> -> memref<1000000x64xf32, #tpu.memory_space<hbm>>
    tpu.enqueue_indirect_dma source(%dma_start3A_8 : memref<1000000x64xf32, #tpu.memory_space<hbm>>) target(%arg6 : memref<320x64xf32, #tpu.memory_space<vmem>>) offsets(%dma_start3A_5 : memref<320xi32, #tpu.memory_space<vmem>>) semaphore(%arg10 : memref<!tpu.dma_semaphore, #tpu.memory_space<semaphore_mem>>)
    %dma_start3A_9 = arith.constant 12800 : i32
    %dma_start3A_10 = tpu.memref_slice %arg5[%dma_start3A_9] : memref<25600xi32, #tpu.memory_space<vmem>> -> memref<320xi32, #tpu.memory_space<vmem>>
    %dma_start3A_11 = arith.constant 0 : i32
    %dma_start3A_12 = arith.constant 0 : i32
    %dma_start3A_13 = tpu.memref_slice %arg2[%dma_start3A_11, %dma_start3A_12] : memref<1000000x64xf32, #tpu.memory_space<hbm>> -> memref<1000000x64xf32, #tpu.memory_space<hbm>>
    tpu.enqueue_indirect_dma source(%dma_start3A_13 : memref<1000000x64xf32, #tpu.memory_space<hbm>>) target(%arg7 : memref<320x64xf32, #tpu.memory_space<vmem>>) offsets(%dma_start3A_10 : memref<320xi32, #tpu.memory_space<vmem>>) semaphore(%arg11 : memref<!tpu.dma_semaphore, #tpu.memory_space<semaphore_mem>>)
    %scan3A = arith.constant 0 : i32
    %scan3A_14 = arith.constant 20 : i32
    %scan3A_15 = arith.addi %scan3A, %scan3A_14 : i32
    %scan3A_16 = arith.constant 1 : i32
    scf.for %scan3A_27 = %scan3A to %scan3A_15 step %scan3A_16  : i32 {
      %mul3A_28 = arith.constant 1 : i32
      %mul3A_29 = arith.muli %scan3A_27, %mul3A_28 : i32
      %add3A_30 = arith.constant 0 : i32
      %add3A_31 = arith.addi %add3A_30, %mul3A_29 : i32
      %mul3A_32 = arith.constant 2 : i32
      %mul3A_33 = arith.muli %mul3A_32, %add3A_31 : i32
      %add3A_34 = arith.constant 1 : i32
      %add3A_35 = arith.addi %mul3A_33, %add3A_34 : i32
      %gt3A = arith.constant 0 : i32
      %gt3A_36 = arith.cmpi sgt, %add3A_31, %gt3A : i32
      %convert_element_type3A = arith.extui %gt3A_36 : i1 to i32
      %cond3A = arith.constant 0 : i32
      %cond3A_37 = arith.cmpi ne, %convert_element_type3A, %cond3A : i32
      scf.if %cond3A_37 {
        %sub3A = arith.constant 1 : i32
        %sub3A_117 = arith.subi %mul3A_33, %sub3A : i32
        %mul3A_118 = arith.constant 320 : i32
        %mul3A_119 = arith.muli %sub3A_117, %mul3A_118 : i32
        %add3A_120 = arith.addi %mul3A_2, %mul3A_119 : i32
        %dma_wait3A_121 = arith.constant 0 : i32
        %dma_wait3A_122 = tpu.memref_slice %arg4[%add3A_120, %dma_wait3A_121] : memref<409600x128xf32, #tpu.memory_space<hbm>> -> memref<320x64xf32, #tpu.memory_space<hbm>>
        %dma_wait3A_123 = arith.constant 0 : i32
        %dma_wait3A_124 = tpu.memref_slice %arg4[%add3A_120, %dma_wait3A_123] : memref<409600x128xf32, #tpu.memory_space<hbm>> -> memref<320x64xf32, #tpu.memory_space<hbm>>
        tpu.wait_dma2 semaphore(%arg15 : memref<!tpu.dma_semaphore, #tpu.memory_space<semaphore_mem>>) src(%arg8 : memref<320x64xf32, #tpu.memory_space<vmem>>) dst(%dma_wait3A_124 : memref<320x64xf32, #tpu.memory_space<hbm>>)
        %dma_wait3A_125 = arith.constant 64 : i32
        %dma_wait3A_126 = tpu.memref_slice %arg4[%add3A_120, %dma_wait3A_125] : memref<409600x128xf32, #tpu.memory_space<hbm>> -> memref<320x64xf32, #tpu.memory_space<hbm>>
        %dma_wait3A_127 = arith.constant 64 : i32
        %dma_wait3A_128 = tpu.memref_slice %arg4[%add3A_120, %dma_wait3A_127] : memref<409600x128xf32, #tpu.memory_space<hbm>> -> memref<320x64xf32, #tpu.memory_space<hbm>>
        tpu.wait_dma2 semaphore(%arg15 : memref<!tpu.dma_semaphore, #tpu.memory_space<semaphore_mem>>) src(%arg9 : memref<320x64xf32, #tpu.memory_space<vmem>>) dst(%dma_wait3A_128 : memref<320x64xf32, #tpu.memory_space<hbm>>)
      } else {
      }
      %mul3A_38 = arith.constant 320 : i32
      %mul3A_39 = arith.muli %add3A_35, %mul3A_38 : i32
      %dma_start3A_40 = tpu.memref_slice %arg5[%mul3A_39] : memref<25600xi32, #tpu.memory_space<vmem>> -> memref<320xi32, #tpu.memory_space<vmem>>
      %dma_start3A_41 = arith.constant 0 : i32
      %dma_start3A_42 = arith.constant 0 : i32
      %dma_start3A_43 = tpu.memref_slice %arg2[%dma_start3A_41, %dma_start3A_42] : memref<1000000x64xf32, #tpu.memory_space<hbm>> -> memref<1000000x64xf32, #tpu.memory_space<hbm>>
      tpu.enqueue_indirect_dma source(%dma_start3A_43 : memref<1000000x64xf32, #tpu.memory_space<hbm>>) target(%arg8 : memref<320x64xf32, #tpu.memory_space<vmem>>) offsets(%dma_start3A_40 : memref<320xi32, #tpu.memory_space<vmem>>) semaphore(%arg12 : memref<!tpu.dma_semaphore, #tpu.memory_space<semaphore_mem>>)
      %mul3A_44 = arith.constant 320 : i32
      %mul3A_45 = arith.muli %add3A_35, %mul3A_44 : i32
      %add3A_46 = arith.constant 12800 : i32
      %add3A_47 = arith.addi %add3A_46, %mul3A_45 : i32
      %dma_start3A_48 = tpu.memref_slice %arg5[%add3A_47] : memref<25600xi32, #tpu.memory_space<vmem>> -> memref<320xi32, #tpu.memory_space<vmem>>
      %dma_start3A_49 = arith.constant 0 : i32
      %dma_start3A_50 = arith.constant 0 : i32
      %dma_start3A_51 = tpu.memref_slice %arg2[%dma_start3A_49, %dma_start3A_50] : memref<1000000x64xf32, #tpu.memory_space<hbm>> -> memref<1000000x64xf32, #tpu.memory_space<hbm>>
      tpu.enqueue_indirect_dma source(%dma_start3A_51 : memref<1000000x64xf32, #tpu.memory_space<hbm>>) target(%arg9 : memref<320x64xf32, #tpu.memory_space<vmem>>) offsets(%dma_start3A_48 : memref<320xi32, #tpu.memory_space<vmem>>) semaphore(%arg13 : memref<!tpu.dma_semaphore, #tpu.memory_space<semaphore_mem>>)
      %mul3A_52 = arith.constant 320 : i32
      %mul3A_53 = arith.muli %mul3A_33, %mul3A_52 : i32
      %dma_wait3A_54 = tpu.memref_slice %arg5[%mul3A_53] : memref<25600xi32, #tpu.memory_space<vmem>> -> memref<320xi32, #tpu.memory_space<vmem>>
      %dma_wait3A_55 = arith.constant 0 : i32
      %dma_wait3A_56 = arith.constant 0 : i32
      %dma_wait3A_57 = tpu.memref_slice %arg2[%dma_wait3A_55, %dma_wait3A_56] : memref<1000000x64xf32, #tpu.memory_space<hbm>> -> memref<1000000x64xf32, #tpu.memory_space<hbm>>
      tpu.wait_indirect_dma semaphore(%arg10 : memref<!tpu.dma_semaphore, #tpu.memory_space<semaphore_mem>>) src(%dma_wait3A_57 : memref<1000000x64xf32, #tpu.memory_space<hbm>>) dst(%arg6 : memref<320x64xf32, #tpu.memory_space<vmem>>)
      %mul3A_58 = arith.constant 320 : i32
      %mul3A_59 = arith.muli %mul3A_33, %mul3A_58 : i32
      %add3A_60 = arith.constant 12800 : i32
      %add3A_61 = arith.addi %add3A_60, %mul3A_59 : i32
      %dma_wait3A_62 = tpu.memref_slice %arg5[%add3A_61] : memref<25600xi32, #tpu.memory_space<vmem>> -> memref<320xi32, #tpu.memory_space<vmem>>
      %dma_wait3A_63 = arith.constant 0 : i32
      %dma_wait3A_64 = arith.constant 0 : i32
      %dma_wait3A_65 = tpu.memref_slice %arg2[%dma_wait3A_63, %dma_wait3A_64] : memref<1000000x64xf32, #tpu.memory_space<hbm>> -> memref<1000000x64xf32, #tpu.memory_space<hbm>>
      tpu.wait_indirect_dma semaphore(%arg11 : memref<!tpu.dma_semaphore, #tpu.memory_space<semaphore_mem>>) src(%dma_wait3A_65 : memref<1000000x64xf32, #tpu.memory_space<hbm>>) dst(%arg7 : memref<320x64xf32, #tpu.memory_space<vmem>>)
      %mul3A_66 = arith.constant 320 : i32
      %mul3A_67 = arith.muli %mul3A_33, %mul3A_66 : i32
      %add3A_68 = arith.addi %mul3A_2, %mul3A_67 : i32
      %dma_start3A_69 = arith.constant 0 : i32
      %dma_start3A_70 = tpu.memref_slice %arg4[%add3A_68, %dma_start3A_69] : memref<409600x128xf32, #tpu.memory_space<hbm>> -> memref<320x64xf32, #tpu.memory_space<hbm>>
      %dma_start3A_71 = arith.constant 0 : i32
      %dma_start3A_72 = tpu.memref_slice %arg4[%add3A_68, %dma_start3A_71] : memref<409600x128xf32, #tpu.memory_space<hbm>> -> memref<320x64xf32, #tpu.memory_space<hbm>>
      tpu.enqueue_dma source(%arg6 : memref<320x64xf32, #tpu.memory_space<vmem>>) target(%dma_start3A_72 : memref<320x64xf32, #tpu.memory_space<hbm>>) target_semaphore(%arg14 : memref<!tpu.dma_semaphore, #tpu.memory_space<semaphore_mem>>)
      %dma_start3A_73 = arith.constant 64 : i32
      %dma_start3A_74 = tpu.memref_slice %arg4[%add3A_68, %dma_start3A_73] : memref<409600x128xf32, #tpu.memory_space<hbm>> -> memref<320x64xf32, #tpu.memory_space<hbm>>
      %dma_start3A_75 = arith.constant 64 : i32
      %dma_start3A_76 = tpu.memref_slice %arg4[%add3A_68, %dma_start3A_75] : memref<409600x128xf32, #tpu.memory_space<hbm>> -> memref<320x64xf32, #tpu.memory_space<hbm>>
      tpu.enqueue_dma source(%arg7 : memref<320x64xf32, #tpu.memory_space<vmem>>) target(%dma_start3A_76 : memref<320x64xf32, #tpu.memory_space<hbm>>) target_semaphore(%arg14 : memref<!tpu.dma_semaphore, #tpu.memory_space<semaphore_mem>>)
      %mul3A_77 = arith.constant 320 : i32
      %mul3A_78 = arith.muli %add3A_35, %mul3A_77 : i32
      %dma_wait3A_79 = tpu.memref_slice %arg5[%mul3A_78] : memref<25600xi32, #tpu.memory_space<vmem>> -> memref<320xi32, #tpu.memory_space<vmem>>
      %dma_wait3A_80 = arith.constant 0 : i32
      %dma_wait3A_81 = arith.constant 0 : i32
      %dma_wait3A_82 = tpu.memref_slice %arg2[%dma_wait3A_80, %dma_wait3A_81] : memref<1000000x64xf32, #tpu.memory_space<hbm>> -> memref<1000000x64xf32, #tpu.memory_space<hbm>>
      tpu.wait_indirect_dma semaphore(%arg12 : memref<!tpu.dma_semaphore, #tpu.memory_space<semaphore_mem>>) src(%dma_wait3A_82 : memref<1000000x64xf32, #tpu.memory_space<hbm>>) dst(%arg8 : memref<320x64xf32, #tpu.memory_space<vmem>>)
      %mul3A_83 = arith.constant 320 : i32
      %mul3A_84 = arith.muli %add3A_35, %mul3A_83 : i32
      %add3A_85 = arith.constant 12800 : i32
      %add3A_86 = arith.addi %add3A_85, %mul3A_84 : i32
      %dma_wait3A_87 = tpu.memref_slice %arg5[%add3A_86] : memref<25600xi32, #tpu.memory_space<vmem>> -> memref<320xi32, #tpu.memory_space<vmem>>
      %dma_wait3A_88 = arith.constant 0 : i32
      %dma_wait3A_89 = arith.constant 0 : i32
      %dma_wait3A_90 = tpu.memref_slice %arg2[%dma_wait3A_88, %dma_wait3A_89] : memref<1000000x64xf32, #tpu.memory_space<hbm>> -> memref<1000000x64xf32, #tpu.memory_space<hbm>>
      tpu.wait_indirect_dma semaphore(%arg13 : memref<!tpu.dma_semaphore, #tpu.memory_space<semaphore_mem>>) src(%dma_wait3A_90 : memref<1000000x64xf32, #tpu.memory_space<hbm>>) dst(%arg9 : memref<320x64xf32, #tpu.memory_space<vmem>>)
      %mul3A_91 = arith.constant 320 : i32
      %mul3A_92 = arith.muli %add3A_35, %mul3A_91 : i32
      %add3A_93 = arith.addi %mul3A_2, %mul3A_92 : i32
      %dma_start3A_94 = arith.constant 0 : i32
      %dma_start3A_95 = tpu.memref_slice %arg4[%add3A_93, %dma_start3A_94] : memref<409600x128xf32, #tpu.memory_space<hbm>> -> memref<320x64xf32, #tpu.memory_space<hbm>>
      %dma_start3A_96 = arith.constant 0 : i32
      %dma_start3A_97 = tpu.memref_slice %arg4[%add3A_93, %dma_start3A_96] : memref<409600x128xf32, #tpu.memory_space<hbm>> -> memref<320x64xf32, #tpu.memory_space<hbm>>
      tpu.enqueue_dma source(%arg8 : memref<320x64xf32, #tpu.memory_space<vmem>>) target(%dma_start3A_97 : memref<320x64xf32, #tpu.memory_space<hbm>>) target_semaphore(%arg15 : memref<!tpu.dma_semaphore, #tpu.memory_space<semaphore_mem>>)
      %dma_start3A_98 = arith.constant 64 : i32
      %dma_start3A_99 = tpu.memref_slice %arg4[%add3A_93, %dma_start3A_98] : memref<409600x128xf32, #tpu.memory_space<hbm>> -> memref<320x64xf32, #tpu.memory_space<hbm>>
      %dma_start3A_100 = arith.constant 64 : i32
      %dma_start3A_101 = tpu.memref_slice %arg4[%add3A_93, %dma_start3A_100] : memref<409600x128xf32, #tpu.memory_space<hbm>> -> memref<320x64xf32, #tpu.memory_space<hbm>>
      tpu.enqueue_dma source(%arg9 : memref<320x64xf32, #tpu.memory_space<vmem>>) target(%dma_start3A_101 : memref<320x64xf32, #tpu.memory_space<hbm>>) target_semaphore(%arg15 : memref<!tpu.dma_semaphore, #tpu.memory_space<semaphore_mem>>)
      %mul3A_102 = arith.constant 320 : i32
      %mul3A_103 = arith.muli %mul3A_33, %mul3A_102 : i32
      %add3A_104 = arith.addi %mul3A_2, %mul3A_103 : i32
      %dma_wait3A_105 = arith.constant 0 : i32
      %dma_wait3A_106 = tpu.memref_slice %arg4[%add3A_104, %dma_wait3A_105] : memref<409600x128xf32, #tpu.memory_space<hbm>> -> memref<320x64xf32, #tpu.memory_space<hbm>>
      %dma_wait3A_107 = arith.constant 0 : i32
      %dma_wait3A_108 = tpu.memref_slice %arg4[%add3A_104, %dma_wait3A_107] : memref<409600x128xf32, #tpu.memory_space<hbm>> -> memref<320x64xf32, #tpu.memory_space<hbm>>
      tpu.wait_dma2 semaphore(%arg14 : memref<!tpu.dma_semaphore, #tpu.memory_space<semaphore_mem>>) src(%arg6 : memref<320x64xf32, #tpu.memory_space<vmem>>) dst(%dma_wait3A_108 : memref<320x64xf32, #tpu.memory_space<hbm>>)
      %dma_wait3A_109 = arith.constant 64 : i32
      %dma_wait3A_110 = tpu.memref_slice %arg4[%add3A_104, %dma_wait3A_109] : memref<409600x128xf32, #tpu.memory_space<hbm>> -> memref<320x64xf32, #tpu.memory_space<hbm>>
      %dma_wait3A_111 = arith.constant 64 : i32
      %dma_wait3A_112 = tpu.memref_slice %arg4[%add3A_104, %dma_wait3A_111] : memref<409600x128xf32, #tpu.memory_space<hbm>> -> memref<320x64xf32, #tpu.memory_space<hbm>>
      tpu.wait_dma2 semaphore(%arg14 : memref<!tpu.dma_semaphore, #tpu.memory_space<semaphore_mem>>) src(%arg7 : memref<320x64xf32, #tpu.memory_space<vmem>>) dst(%dma_wait3A_112 : memref<320x64xf32, #tpu.memory_space<hbm>>)
      %lt3A = arith.constant 19 : i32
      %lt3A_113 = arith.cmpi slt, %add3A_31, %lt3A : i32
      %convert_element_type3A_114 = arith.extui %lt3A_113 : i1 to i32
      %cond3A_115 = arith.constant 0 : i32
      %cond3A_116 = arith.cmpi ne, %convert_element_type3A_114, %cond3A_115 : i32
      scf.if %cond3A_116 {
        %add3A_117 = arith.constant 2 : i32
        %add3A_118 = arith.addi %mul3A_33, %add3A_117 : i32
        %mul3A_119 = arith.constant 320 : i32
        %mul3A_120 = arith.muli %add3A_118, %mul3A_119 : i32
        %dma_start3A_121 = tpu.memref_slice %arg5[%mul3A_120] : memref<25600xi32, #tpu.memory_space<vmem>> -> memref<320xi32, #tpu.memory_space<vmem>>
        %dma_start3A_122 = arith.constant 0 : i32
        %dma_start3A_123 = arith.constant 0 : i32
        %dma_start3A_124 = tpu.memref_slice %arg2[%dma_start3A_122, %dma_start3A_123] : memref<1000000x64xf32, #tpu.memory_space<hbm>> -> memref<1000000x64xf32, #tpu.memory_space<hbm>>
        tpu.enqueue_indirect_dma source(%dma_start3A_124 : memref<1000000x64xf32, #tpu.memory_space<hbm>>) target(%arg6 : memref<320x64xf32, #tpu.memory_space<vmem>>) offsets(%dma_start3A_121 : memref<320xi32, #tpu.memory_space<vmem>>) semaphore(%arg10 : memref<!tpu.dma_semaphore, #tpu.memory_space<semaphore_mem>>)
        %mul3A_125 = arith.constant 320 : i32
        %mul3A_126 = arith.muli %add3A_118, %mul3A_125 : i32
        %add3A_127 = arith.constant 12800 : i32
        %add3A_128 = arith.addi %add3A_127, %mul3A_126 : i32
        %dma_start3A_129 = tpu.memref_slice %arg5[%add3A_128] : memref<25600xi32, #tpu.memory_space<vmem>> -> memref<320xi32, #tpu.memory_space<vmem>>
        %dma_start3A_130 = arith.constant 0 : i32
        %dma_start3A_131 = arith.constant 0 : i32
        %dma_start3A_132 = tpu.memref_slice %arg2[%dma_start3A_130, %dma_start3A_131] : memref<1000000x64xf32, #tpu.memory_space<hbm>> -> memref<1000000x64xf32, #tpu.memory_space<hbm>>
        tpu.enqueue_indirect_dma source(%dma_start3A_132 : memref<1000000x64xf32, #tpu.memory_space<hbm>>) target(%arg7 : memref<320x64xf32, #tpu.memory_space<vmem>>) offsets(%dma_start3A_129 : memref<320xi32, #tpu.memory_space<vmem>>) semaphore(%arg11 : memref<!tpu.dma_semaphore, #tpu.memory_space<semaphore_mem>>)
      } else {
      }
    }
    %scan3A_17 = arith.constant 20 : i32
    %add3A_18 = arith.constant 12480 : i32
    %add3A_19 = arith.addi %mul3A_2, %add3A_18 : i32
    %dma_wait3A = arith.constant 0 : i32
    %dma_wait3A_20 = tpu.memref_slice %arg4[%add3A_19, %dma_wait3A] : memref<409600x128xf32, #tpu.memory_space<hbm>> -> memref<320x64xf32, #tpu.memory_space<hbm>>
    %dma_wait3A_21 = arith.constant 0 : i32
    %dma_wait3A_22 = tpu.memref_slice %arg4[%add3A_19, %dma_wait3A_21] : memref<409600x128xf32, #tpu.memory_space<hbm>> -> memref<320x64xf32, #tpu.memory_space<hbm>>
    tpu.wait_dma2 semaphore(%arg15 : memref<!tpu.dma_semaphore, #tpu.memory_space<semaphore_mem>>) src(%arg8 : memref<320x64xf32, #tpu.memory_space<vmem>>) dst(%dma_wait3A_22 : memref<320x64xf32, #tpu.memory_space<hbm>>)
    %dma_wait3A_23 = arith.constant 64 : i32
    %dma_wait3A_24 = tpu.memref_slice %arg4[%add3A_19, %dma_wait3A_23] : memref<409600x128xf32, #tpu.memory_space<hbm>> -> memref<320x64xf32, #tpu.memory_space<hbm>>
    %dma_wait3A_25 = arith.constant 64 : i32
    %dma_wait3A_26 = tpu.memref_slice %arg4[%add3A_19, %dma_wait3A_25] : memref<409600x128xf32, #tpu.memory_space<hbm>> -> memref<320x64xf32, #tpu.memory_space<hbm>>
    tpu.wait_dma2 semaphore(%arg15 : memref<!tpu.dma_semaphore, #tpu.memory_space<semaphore_mem>>) src(%arg9 : memref<320x64xf32, #tpu.memory_space<vmem>>) dst(%dma_wait3A_26 : memref<320x64xf32, #tpu.memory_space<hbm>>)
    return
  }
}

module attributes {stable_mosaic.version = 14 : i64} {
  func.func @_ln_body(%arg0: i32, %arg1: memref<6400x128xf32, #tpu.memory_space<vmem>>, %arg2: memref<800x128xf32, #tpu.memory_space<vmem>>, %arg3: memref<1x128xf32, #tpu.memory_space<vmem>>, %arg4: memref<2x6400x64xf32, #tpu.memory_space<vmem>>) attributes {dimension_semantics = [#tpu.dimension_semantics<arbitrary>], iteration_bounds = array<i64: 64>, scalar_prefetch = 0 : i64, scratch_operands = 0 : i64, tpu.core_type = #tpu.core_type<tc>, window_params = [{transform_indices = @transform_0, window_bounds = array<i64: 6400, 128>}, {pipeline_mode = #tpu.pipeline_mode<synchronous>, transform_indices = @transform_1, window_bounds = array<i64: 800, 128>}, {pipeline_mode = #tpu.pipeline_mode<synchronous>, transform_indices = @transform_2, window_bounds = array<i64: 1, 128>}, {transform_indices = @transform_3, window_bounds = array<i64: 2, 6400, 64>}]} {
    %get3A = arith.constant 0 : index
    %get3A_0 = arith.constant 0 : index
    %get3A_1 = vector.load %arg3[%get3A, %get3A_0] : memref<1x128xf32, #tpu.memory_space<vmem>>, vector<1x128xf32>
    %iota3A = tpu.iota {dimensions = array<i32: 1>} : vector<800x128xi32>
    %lt3A = arith.constant 64 : i32
    %lt3A_2 = vector.broadcast %lt3A : i32 to vector<800x128xi32>
    %lt3A_3 = arith.cmpi slt, %iota3A, %lt3A_2 : vector<800x128xi32>
    %jit3A = arith.constant 1.000000e+00 : f32
    %jit3A_4 = arith.constant -1.000000e+00 : f32
    %broadcast_in_dim3A = vector.broadcast %jit3A : f32 to vector<800x128xf32>
    %broadcast_in_dim3A_5 = vector.broadcast %jit3A_4 : f32 to vector<800x128xf32>
    %select_n3A = arith.select %lt3A_3, %broadcast_in_dim3A, %broadcast_in_dim3A_5 : vector<800x128xi1>, vector<800x128xf32>
    %get3A_6 = arith.constant 0 : index
    %get3A_7 = arith.constant 0 : index
    %get3A_8 = vector.load %arg1[%get3A_6, %get3A_7] : memref<6400x128xf32, #tpu.memory_space<vmem>>, vector<800x128xf32>
    %get3A_9 = arith.constant 0 : index
    %get3A_10 = arith.constant 0 : index
    %get3A_11 = vector.load %arg2[%get3A_9, %get3A_10] : memref<800x128xf32, #tpu.memory_space<vmem>>, vector<800x128xf32>
    %add3A = arith.addf %get3A_8, %get3A_11 : vector<800x128xf32>
    %mul3A = arith.mulf %add3A, %select_n3A : vector<800x128xf32>
    %mul3A_12 = arith.mulf %add3A, %add3A : vector<800x128xf32>
    %mul3A_13 = arith.mulf %mul3A, %add3A : vector<800x128xf32>
    %reduce_sum3A = arith.constant dense<0.000000e+00> : vector<800xf32>
    %reduce_sum3A_14 = vector.multi_reduction <add>, %add3A, %reduce_sum3A [1] : vector<800x128xf32> to vector<800xf32>
    %broadcast_in_dim3A_15 = vector.shape_cast %reduce_sum3A_14 : vector<800xf32> to vector<800x1xf32>
    %reduce_sum3A_16 = arith.constant dense<0.000000e+00> : vector<800xf32>
    %reduce_sum3A_17 = vector.multi_reduction <add>, %mul3A, %reduce_sum3A_16 [1] : vector<800x128xf32> to vector<800xf32>
    %broadcast_in_dim3A_18 = vector.shape_cast %reduce_sum3A_17 : vector<800xf32> to vector<800x1xf32>
    %reduce_sum3A_19 = arith.constant dense<0.000000e+00> : vector<800xf32>
    %reduce_sum3A_20 = vector.multi_reduction <add>, %mul3A_12, %reduce_sum3A_19 [1] : vector<800x128xf32> to vector<800xf32>
    %broadcast_in_dim3A_21 = vector.shape_cast %reduce_sum3A_20 : vector<800xf32> to vector<800x1xf32>
    %reduce_sum3A_22 = arith.constant dense<0.000000e+00> : vector<800xf32>
    %reduce_sum3A_23 = vector.multi_reduction <add>, %mul3A_13, %reduce_sum3A_22 [1] : vector<800x128xf32> to vector<800xf32>
    %broadcast_in_dim3A_24 = vector.shape_cast %reduce_sum3A_23 : vector<800xf32> to vector<800x1xf32>
    %mul3A_25 = vector.broadcast %broadcast_in_dim3A_18 : vector<800x1xf32> to vector<800x128xf32>
    %mul3A_26 = arith.mulf %select_n3A, %mul3A_25 : vector<800x128xf32>
    %add3A_27 = vector.broadcast %broadcast_in_dim3A_15 : vector<800x1xf32> to vector<800x128xf32>
    %add3A_28 = arith.addf %add3A_27, %mul3A_26 : vector<800x128xf32>
    %mul3A_29 = arith.constant 7.812500e-03 : f32
    %mul3A_30 = vector.broadcast %mul3A_29 : f32 to vector<800x128xf32>
    %mul3A_31 = arith.mulf %add3A_28, %mul3A_30 : vector<800x128xf32>
    %mul3A_32 = vector.broadcast %broadcast_in_dim3A_24 : vector<800x1xf32> to vector<800x128xf32>
    %mul3A_33 = arith.mulf %select_n3A, %mul3A_32 : vector<800x128xf32>
    %add3A_34 = vector.broadcast %broadcast_in_dim3A_21 : vector<800x1xf32> to vector<800x128xf32>
    %add3A_35 = arith.addf %add3A_34, %mul3A_33 : vector<800x128xf32>
    %mul3A_36 = arith.constant 5.000000e-01 : f32
    %mul3A_37 = vector.broadcast %mul3A_36 : f32 to vector<800x128xf32>
    %mul3A_38 = arith.mulf %add3A_35, %mul3A_37 : vector<800x128xf32>
    %mul3A_39 = arith.mulf %mul3A_31, %mul3A_31 : vector<800x128xf32>
    %mul3A_40 = arith.constant 6.400000e+01 : f32
    %mul3A_41 = vector.broadcast %mul3A_40 : f32 to vector<800x128xf32>
    %mul3A_42 = arith.mulf %mul3A_39, %mul3A_41 : vector<800x128xf32>
    %sub3A = arith.subf %mul3A_38, %mul3A_42 : vector<800x128xf32>
    %mul3A_43 = arith.constant 0.0158730168 : f32
    %mul3A_44 = vector.broadcast %mul3A_43 : f32 to vector<800x128xf32>
    %mul3A_45 = arith.mulf %sub3A, %mul3A_44 : vector<800x128xf32>
    %add3A_46 = arith.constant 1.000000e-18 : f32
    %add3A_47 = vector.broadcast %add3A_46 : f32 to vector<800x128xf32>
    %add3A_48 = arith.addf %mul3A_45, %add3A_47 : vector<800x128xf32>
    %rsqrt3A = math.rsqrt %add3A_48 : vector<800x128xf32>
    %sub3A_49 = arith.subf %add3A, %mul3A_31 : vector<800x128xf32>
    %mul3A_50 = arith.mulf %sub3A_49, %rsqrt3A : vector<800x128xf32>
    %add3A_51 = vector.broadcast %get3A_1 : vector<1x128xf32> to vector<800x128xf32>
    %add3A_52 = arith.addf %mul3A_50, %add3A_51 : vector<800x128xf32>
    %slice3A = vector.extract_strided_slice %add3A_52 {offsets = [0, 0], sizes = [800, 64], strides = [1, 1]} : vector<800x128xf32> to vector<800x64xf32>
    %swap3A = arith.constant 0 : index
    %swap3A_53 = arith.constant 0 : index
    %swap3A_54 = arith.constant 0 : index
    %swap3A_55 = vector.load %arg4[%swap3A, %swap3A_53, %swap3A_54] : memref<2x6400x64xf32, #tpu.memory_space<vmem>>, vector<1x800x64xf32>
    %swap3A_56 = vector.shape_cast %swap3A_55 : vector<1x800x64xf32> to vector<800x64xf32>
    %swap3A_57 = vector.shape_cast %slice3A : vector<800x64xf32> to vector<1x800x64xf32>
    tpu.vector_store %arg4[%swap3A, %swap3A_53, %swap3A_54], %swap3A_57 {strides = array<i32>} : memref<2x6400x64xf32, #tpu.memory_space<vmem>>, vector<1x800x64xf32>,
    %slice3A_58 = vector.extract_strided_slice %add3A_52 {offsets = [0, 64], sizes = [800, 64], strides = [1, 1]} : vector<800x128xf32> to vector<800x64xf32>
    %swap3A_59 = arith.constant 1 : index
    %swap3A_60 = arith.constant 0 : index
    %swap3A_61 = arith.constant 0 : index
    %swap3A_62 = vector.load %arg4[%swap3A_59, %swap3A_60, %swap3A_61] : memref<2x6400x64xf32, #tpu.memory_space<vmem>>, vector<1x800x64xf32>
    %swap3A_63 = vector.shape_cast %swap3A_62 : vector<1x800x64xf32> to vector<800x64xf32>
    %swap3A_64 = vector.shape_cast %slice3A_58 : vector<800x64xf32> to vector<1x800x64xf32>
    tpu.vector_store %arg4[%swap3A_59, %swap3A_60, %swap3A_61], %swap3A_64 {strides = array<i32>} : memref<2x6400x64xf32, #tpu.memory_space<vmem>>, vector<1x800x64xf32>,
    %get3A_65 = arith.constant 800 : index
    %get3A_66 = arith.constant 0 : index
    %get3A_67 = vector.load %arg1[%get3A_65, %get3A_66] : memref<6400x128xf32, #tpu.memory_space<vmem>>, vector<800x128xf32>
    %get3A_68 = arith.constant 0 : index
    %get3A_69 = arith.constant 0 : index
    %get3A_70 = vector.load %arg2[%get3A_68, %get3A_69] : memref<800x128xf32, #tpu.memory_space<vmem>>, vector<800x128xf32>
    %add3A_71 = arith.addf %get3A_67, %get3A_70 : vector<800x128xf32>
    %mul3A_72 = arith.mulf %add3A_71, %select_n3A : vector<800x128xf32>
    %mul3A_73 = arith.mulf %add3A_71, %add3A_71 : vector<800x128xf32>
    %mul3A_74 = arith.mulf %mul3A_72, %add3A_71 : vector<800x128xf32>
    %reduce_sum3A_75 = arith.constant dense<0.000000e+00> : vector<800xf32>
    %reduce_sum3A_76 = vector.multi_reduction <add>, %add3A_71, %reduce_sum3A_75 [1] : vector<800x128xf32> to vector<800xf32>
    %broadcast_in_dim3A_77 = vector.shape_cast %reduce_sum3A_76 : vector<800xf32> to vector<800x1xf32>
    %reduce_sum3A_78 = arith.constant dense<0.000000e+00> : vector<800xf32>
    %reduce_sum3A_79 = vector.multi_reduction <add>, %mul3A_72, %reduce_sum3A_78 [1] : vector<800x128xf32> to vector<800xf32>
    %broadcast_in_dim3A_80 = vector.shape_cast %reduce_sum3A_79 : vector<800xf32> to vector<800x1xf32>
    %reduce_sum3A_81 = arith.constant dense<0.000000e+00> : vector<800xf32>
    %reduce_sum3A_82 = vector.multi_reduction <add>, %mul3A_73, %reduce_sum3A_81 [1] : vector<800x128xf32> to vector<800xf32>
    %broadcast_in_dim3A_83 = vector.shape_cast %reduce_sum3A_82 : vector<800xf32> to vector<800x1xf32>
    %reduce_sum3A_84 = arith.constant dense<0.000000e+00> : vector<800xf32>
    %reduce_sum3A_85 = vector.multi_reduction <add>, %mul3A_74, %reduce_sum3A_84 [1] : vector<800x128xf32> to vector<800xf32>
    %broadcast_in_dim3A_86 = vector.shape_cast %reduce_sum3A_85 : vector<800xf32> to vector<800x1xf32>
    %mul3A_87 = vector.broadcast %broadcast_in_dim3A_80 : vector<800x1xf32> to vector<800x128xf32>
    %mul3A_88 = arith.mulf %select_n3A, %mul3A_87 : vector<800x128xf32>
    %add3A_89 = vector.broadcast %broadcast_in_dim3A_77 : vector<800x1xf32> to vector<800x128xf32>
    %add3A_90 = arith.addf %add3A_89, %mul3A_88 : vector<800x128xf32>
    %mul3A_91 = arith.constant 7.812500e-03 : f32
    %mul3A_92 = vector.broadcast %mul3A_91 : f32 to vector<800x128xf32>
    %mul3A_93 = arith.mulf %add3A_90, %mul3A_92 : vector<800x128xf32>
    %mul3A_94 = vector.broadcast %broadcast_in_dim3A_86 : vector<800x1xf32> to vector<800x128xf32>
    %mul3A_95 = arith.mulf %select_n3A, %mul3A_94 : vector<800x128xf32>
    %add3A_96 = vector.broadcast %broadcast_in_dim3A_83 : vector<800x1xf32> to vector<800x128xf32>
    %add3A_97 = arith.addf %add3A_96, %mul3A_95 : vector<800x128xf32>
    %mul3A_98 = arith.constant 5.000000e-01 : f32
    %mul3A_99 = vector.broadcast %mul3A_98 : f32 to vector<800x128xf32>
    %mul3A_100 = arith.mulf %add3A_97, %mul3A_99 : vector<800x128xf32>
    %mul3A_101 = arith.mulf %mul3A_93, %mul3A_93 : vector<800x128xf32>
    %mul3A_102 = arith.constant 6.400000e+01 : f32
    %mul3A_103 = vector.broadcast %mul3A_102 : f32 to vector<800x128xf32>
    %mul3A_104 = arith.mulf %mul3A_101, %mul3A_103 : vector<800x128xf32>
    %sub3A_105 = arith.subf %mul3A_100, %mul3A_104 : vector<800x128xf32>
    %mul3A_106 = arith.constant 0.0158730168 : f32
    %mul3A_107 = vector.broadcast %mul3A_106 : f32 to vector<800x128xf32>
    %mul3A_108 = arith.mulf %sub3A_105, %mul3A_107 : vector<800x128xf32>
    %add3A_109 = arith.constant 1.000000e-18 : f32
    %add3A_110 = vector.broadcast %add3A_109 : f32 to vector<800x128xf32>
    %add3A_111 = arith.addf %mul3A_108, %add3A_110 : vector<800x128xf32>
    %rsqrt3A_112 = math.rsqrt %add3A_111 : vector<800x128xf32>
    %sub3A_113 = arith.subf %add3A_71, %mul3A_93 : vector<800x128xf32>
    %mul3A_114 = arith.mulf %sub3A_113, %rsqrt3A_112 : vector<800x128xf32>
    %add3A_115 = vector.broadcast %get3A_1 : vector<1x128xf32> to vector<800x128xf32>
    %add3A_116 = arith.addf %mul3A_114, %add3A_115 : vector<800x128xf32>
    %slice3A_117 = vector.extract_strided_slice %add3A_116 {offsets = [0, 0], sizes = [800, 64], strides = [1, 1]} : vector<800x128xf32> to vector<800x64xf32>
    %swap3A_118 = arith.constant 0 : index
    %swap3A_119 = arith.constant 800 : index
    %swap3A_120 = arith.constant 0 : index
    %swap3A_121 = vector.load %arg4[%swap3A_118, %swap3A_119, %swap3A_120] : memref<2x6400x64xf32, #tpu.memory_space<vmem>>, vector<1x800x64xf32>
    %swap3A_122 = vector.shape_cast %swap3A_121 : vector<1x800x64xf32> to vector<800x64xf32>
    %swap3A_123 = vector.shape_cast %slice3A_117 : vector<800x64xf32> to vector<1x800x64xf32>
    tpu.vector_store %arg4[%swap3A_118, %swap3A_119, %swap3A_120], %swap3A_123 {strides = array<i32>} : memref<2x6400x64xf32, #tpu.memory_space<vmem>>, vector<1x800x64xf32>,
    %slice3A_124 = vector.extract_strided_slice %add3A_116 {offsets = [0, 64], sizes = [800, 64], strides = [1, 1]} : vector<800x128xf32> to vector<800x64xf32>
    %swap3A_125 = arith.constant 1 : index
    %swap3A_126 = arith.constant 800 : index
    %swap3A_127 = arith.constant 0 : index
    %swap3A_128 = vector.load %arg4[%swap3A_125, %swap3A_126, %swap3A_127] : memref<2x6400x64xf32, #tpu.memory_space<vmem>>, vector<1x800x64xf32>
    %swap3A_129 = vector.shape_cast %swap3A_128 : vector<1x800x64xf32> to vector<800x64xf32>
    %swap3A_130 = vector.shape_cast %slice3A_124 : vector<800x64xf32> to vector<1x800x64xf32>
    tpu.vector_store %arg4[%swap3A_125, %swap3A_126, %swap3A_127], %swap3A_130 {strides = array<i32>} : memref<2x6400x64xf32, #tpu.memory_space<vmem>>, vector<1x800x64xf32>,
    %get3A_131 = arith.constant 1600 : index
    %get3A_132 = arith.constant 0 : index
    %get3A_133 = vector.load %arg1[%get3A_131, %get3A_132] : memref<6400x128xf32, #tpu.memory_space<vmem>>, vector<800x128xf32>
    %get3A_134 = arith.constant 0 : index
    %get3A_135 = arith.constant 0 : index
    %get3A_136 = vector.load %arg2[%get3A_134, %get3A_135] : memref<800x128xf32, #tpu.memory_space<vmem>>, vector<800x128xf32>
    %add3A_137 = arith.addf %get3A_133, %get3A_136 : vector<800x128xf32>
    %mul3A_138 = arith.mulf %add3A_137, %select_n3A : vector<800x128xf32>
    %mul3A_139 = arith.mulf %add3A_137, %add3A_137 : vector<800x128xf32>
    %mul3A_140 = arith.mulf %mul3A_138, %add3A_137 : vector<800x128xf32>
    %reduce_sum3A_141 = arith.constant dense<0.000000e+00> : vector<800xf32>
    %reduce_sum3A_142 = vector.multi_reduction <add>, %add3A_137, %reduce_sum3A_141 [1] : vector<800x128xf32> to vector<800xf32>
    %broadcast_in_dim3A_143 = vector.shape_cast %reduce_sum3A_142 : vector<800xf32> to vector<800x1xf32>
    %reduce_sum3A_144 = arith.constant dense<0.000000e+00> : vector<800xf32>
    %reduce_sum3A_145 = vector.multi_reduction <add>, %mul3A_138, %reduce_sum3A_144 [1] : vector<800x128xf32> to vector<800xf32>
    %broadcast_in_dim3A_146 = vector.shape_cast %reduce_sum3A_145 : vector<800xf32> to vector<800x1xf32>
    %reduce_sum3A_147 = arith.constant dense<0.000000e+00> : vector<800xf32>
    %reduce_sum3A_148 = vector.multi_reduction <add>, %mul3A_139, %reduce_sum3A_147 [1] : vector<800x128xf32> to vector<800xf32>
    %broadcast_in_dim3A_149 = vector.shape_cast %reduce_sum3A_148 : vector<800xf32> to vector<800x1xf32>
    %reduce_sum3A_150 = arith.constant dense<0.000000e+00> : vector<800xf32>
    %reduce_sum3A_151 = vector.multi_reduction <add>, %mul3A_140, %reduce_sum3A_150 [1] : vector<800x128xf32> to vector<800xf32>
    %broadcast_in_dim3A_152 = vector.shape_cast %reduce_sum3A_151 : vector<800xf32> to vector<800x1xf32>
    %mul3A_153 = vector.broadcast %broadcast_in_dim3A_146 : vector<800x1xf32> to vector<800x128xf32>
    %mul3A_154 = arith.mulf %select_n3A, %mul3A_153 : vector<800x128xf32>
    %add3A_155 = vector.broadcast %broadcast_in_dim3A_143 : vector<800x1xf32> to vector<800x128xf32>
    %add3A_156 = arith.addf %add3A_155, %mul3A_154 : vector<800x128xf32>
    %mul3A_157 = arith.constant 7.812500e-03 : f32
    %mul3A_158 = vector.broadcast %mul3A_157 : f32 to vector<800x128xf32>
    %mul3A_159 = arith.mulf %add3A_156, %mul3A_158 : vector<800x128xf32>
    %mul3A_160 = vector.broadcast %broadcast_in_dim3A_152 : vector<800x1xf32> to vector<800x128xf32>
    %mul3A_161 = arith.mulf %select_n3A, %mul3A_160 : vector<800x128xf32>
    %add3A_162 = vector.broadcast %broadcast_in_dim3A_149 : vector<800x1xf32> to vector<800x128xf32>
    %add3A_163 = arith.addf %add3A_162, %mul3A_161 : vector<800x128xf32>
    %mul3A_164 = arith.constant 5.000000e-01 : f32
    %mul3A_165 = vector.broadcast %mul3A_164 : f32 to vector<800x128xf32>
    %mul3A_166 = arith.mulf %add3A_163, %mul3A_165 : vector<800x128xf32>
    %mul3A_167 = arith.mulf %mul3A_159, %mul3A_159 : vector<800x128xf32>
    %mul3A_168 = arith.constant 6.400000e+01 : f32
    %mul3A_169 = vector.broadcast %mul3A_168 : f32 to vector<800x128xf32>
    %mul3A_170 = arith.mulf %mul3A_167, %mul3A_169 : vector<800x128xf32>
    %sub3A_171 = arith.subf %mul3A_166, %mul3A_170 : vector<800x128xf32>
    %mul3A_172 = arith.constant 0.0158730168 : f32
    %mul3A_173 = vector.broadcast %mul3A_172 : f32 to vector<800x128xf32>
    %mul3A_174 = arith.mulf %sub3A_171, %mul3A_173 : vector<800x128xf32>
    %add3A_175 = arith.constant 1.000000e-18 : f32
    %add3A_176 = vector.broadcast %add3A_175 : f32 to vector<800x128xf32>
    %add3A_177 = arith.addf %mul3A_174, %add3A_176 : vector<800x128xf32>
    %rsqrt3A_178 = math.rsqrt %add3A_177 : vector<800x128xf32>
    %sub3A_179 = arith.subf %add3A_137, %mul3A_159 : vector<800x128xf32>
    %mul3A_180 = arith.mulf %sub3A_179, %rsqrt3A_178 : vector<800x128xf32>
    %add3A_181 = vector.broadcast %get3A_1 : vector<1x128xf32> to vector<800x128xf32>
    %add3A_182 = arith.addf %mul3A_180, %add3A_181 : vector<800x128xf32>
    %slice3A_183 = vector.extract_strided_slice %add3A_182 {offsets = [0, 0], sizes = [800, 64], strides = [1, 1]} : vector<800x128xf32> to vector<800x64xf32>
    %swap3A_184 = arith.constant 0 : index
    %swap3A_185 = arith.constant 1600 : index
    %swap3A_186 = arith.constant 0 : index
    %swap3A_187 = vector.load %arg4[%swap3A_184, %swap3A_185, %swap3A_186] : memref<2x6400x64xf32, #tpu.memory_space<vmem>>, vector<1x800x64xf32>
    %swap3A_188 = vector.shape_cast %swap3A_187 : vector<1x800x64xf32> to vector<800x64xf32>
    %swap3A_189 = vector.shape_cast %slice3A_183 : vector<800x64xf32> to vector<1x800x64xf32>
    tpu.vector_store %arg4[%swap3A_184, %swap3A_185, %swap3A_186], %swap3A_189 {strides = array<i32>} : memref<2x6400x64xf32, #tpu.memory_space<vmem>>, vector<1x800x64xf32>,
    %slice3A_190 = vector.extract_strided_slice %add3A_182 {offsets = [0, 64], sizes = [800, 64], strides = [1, 1]} : vector<800x128xf32> to vector<800x64xf32>
    %swap3A_191 = arith.constant 1 : index
    %swap3A_192 = arith.constant 1600 : index
    %swap3A_193 = arith.constant 0 : index
    %swap3A_194 = vector.load %arg4[%swap3A_191, %swap3A_192, %swap3A_193] : memref<2x6400x64xf32, #tpu.memory_space<vmem>>, vector<1x800x64xf32>
    %swap3A_195 = vector.shape_cast %swap3A_194 : vector<1x800x64xf32> to vector<800x64xf32>
    %swap3A_196 = vector.shape_cast %slice3A_190 : vector<800x64xf32> to vector<1x800x64xf32>
    tpu.vector_store %arg4[%swap3A_191, %swap3A_192, %swap3A_193], %swap3A_196 {strides = array<i32>} : memref<2x6400x64xf32, #tpu.memory_space<vmem>>, vector<1x800x64xf32>,
    %get3A_197 = arith.constant 2400 : index
    %get3A_198 = arith.constant 0 : index
    %get3A_199 = vector.load %arg1[%get3A_197, %get3A_198] : memref<6400x128xf32, #tpu.memory_space<vmem>>, vector<800x128xf32>
    %get3A_200 = arith.constant 0 : index
    %get3A_201 = arith.constant 0 : index
    %get3A_202 = vector.load %arg2[%get3A_200, %get3A_201] : memref<800x128xf32, #tpu.memory_space<vmem>>, vector<800x128xf32>
    %add3A_203 = arith.addf %get3A_199, %get3A_202 : vector<800x128xf32>
    %mul3A_204 = arith.mulf %add3A_203, %select_n3A : vector<800x128xf32>
    %mul3A_205 = arith.mulf %add3A_203, %add3A_203 : vector<800x128xf32>
    %mul3A_206 = arith.mulf %mul3A_204, %add3A_203 : vector<800x128xf32>
    %reduce_sum3A_207 = arith.constant dense<0.000000e+00> : vector<800xf32>
    %reduce_sum3A_208 = vector.multi_reduction <add>, %add3A_203, %reduce_sum3A_207 [1] : vector<800x128xf32> to vector<800xf32>
    %broadcast_in_dim3A_209 = vector.shape_cast %reduce_sum3A_208 : vector<800xf32> to vector<800x1xf32>
    %reduce_sum3A_210 = arith.constant dense<0.000000e+00> : vector<800xf32>
    %reduce_sum3A_211 = vector.multi_reduction <add>, %mul3A_204, %reduce_sum3A_210 [1] : vector<800x128xf32> to vector<800xf32>
    %broadcast_in_dim3A_212 = vector.shape_cast %reduce_sum3A_211 : vector<800xf32> to vector<800x1xf32>
    %reduce_sum3A_213 = arith.constant dense<0.000000e+00> : vector<800xf32>
    %reduce_sum3A_214 = vector.multi_reduction <add>, %mul3A_205, %reduce_sum3A_213 [1] : vector<800x128xf32> to vector<800xf32>
    %broadcast_in_dim3A_215 = vector.shape_cast %reduce_sum3A_214 : vector<800xf32> to vector<800x1xf32>
    %reduce_sum3A_216 = arith.constant dense<0.000000e+00> : vector<800xf32>
    %reduce_sum3A_217 = vector.multi_reduction <add>, %mul3A_206, %reduce_sum3A_216 [1] : vector<800x128xf32> to vector<800xf32>
    %broadcast_in_dim3A_218 = vector.shape_cast %reduce_sum3A_217 : vector<800xf32> to vector<800x1xf32>
    %mul3A_219 = vector.broadcast %broadcast_in_dim3A_212 : vector<800x1xf32> to vector<800x128xf32>
    %mul3A_220 = arith.mulf %select_n3A, %mul3A_219 : vector<800x128xf32>
    %add3A_221 = vector.broadcast %broadcast_in_dim3A_209 : vector<800x1xf32> to vector<800x128xf32>
    %add3A_222 = arith.addf %add3A_221, %mul3A_220 : vector<800x128xf32>
    %mul3A_223 = arith.constant 7.812500e-03 : f32
    %mul3A_224 = vector.broadcast %mul3A_223 : f32 to vector<800x128xf32>
    %mul3A_225 = arith.mulf %add3A_222, %mul3A_224 : vector<800x128xf32>
    %mul3A_226 = vector.broadcast %broadcast_in_dim3A_218 : vector<800x1xf32> to vector<800x128xf32>
    %mul3A_227 = arith.mulf %select_n3A, %mul3A_226 : vector<800x128xf32>
    %add3A_228 = vector.broadcast %broadcast_in_dim3A_215 : vector<800x1xf32> to vector<800x128xf32>
    %add3A_229 = arith.addf %add3A_228, %mul3A_227 : vector<800x128xf32>
    %mul3A_230 = arith.constant 5.000000e-01 : f32
    %mul3A_231 = vector.broadcast %mul3A_230 : f32 to vector<800x128xf32>
    %mul3A_232 = arith.mulf %add3A_229, %mul3A_231 : vector<800x128xf32>
    %mul3A_233 = arith.mulf %mul3A_225, %mul3A_225 : vector<800x128xf32>
    %mul3A_234 = arith.constant 6.400000e+01 : f32
    %mul3A_235 = vector.broadcast %mul3A_234 : f32 to vector<800x128xf32>
    %mul3A_236 = arith.mulf %mul3A_233, %mul3A_235 : vector<800x128xf32>
    %sub3A_237 = arith.subf %mul3A_232, %mul3A_236 : vector<800x128xf32>
    %mul3A_238 = arith.constant 0.0158730168 : f32
    %mul3A_239 = vector.broadcast %mul3A_238 : f32 to vector<800x128xf32>
    %mul3A_240 = arith.mulf %sub3A_237, %mul3A_239 : vector<800x128xf32>
    %add3A_241 = arith.constant 1.000000e-18 : f32
    %add3A_242 = vector.broadcast %add3A_241 : f32 to vector<800x128xf32>
    %add3A_243 = arith.addf %mul3A_240, %add3A_242 : vector<800x128xf32>
    %rsqrt3A_244 = math.rsqrt %add3A_243 : vector<800x128xf32>
    %sub3A_245 = arith.subf %add3A_203, %mul3A_225 : vector<800x128xf32>
    %mul3A_246 = arith.mulf %sub3A_245, %rsqrt3A_244 : vector<800x128xf32>
    %add3A_247 = vector.broadcast %get3A_1 : vector<1x128xf32> to vector<800x128xf32>
    %add3A_248 = arith.addf %mul3A_246, %add3A_247 : vector<800x128xf32>
    %slice3A_249 = vector.extract_strided_slice %add3A_248 {offsets = [0, 0], sizes = [800, 64], strides = [1, 1]} : vector<800x128xf32> to vector<800x64xf32>
    %swap3A_250 = arith.constant 0 : index
    %swap3A_251 = arith.constant 2400 : index
    %swap3A_252 = arith.constant 0 : index
    %swap3A_253 = vector.load %arg4[%swap3A_250, %swap3A_251, %swap3A_252] : memref<2x6400x64xf32, #tpu.memory_space<vmem>>, vector<1x800x64xf32>
    %swap3A_254 = vector.shape_cast %swap3A_253 : vector<1x800x64xf32> to vector<800x64xf32>
    %swap3A_255 = vector.shape_cast %slice3A_249 : vector<800x64xf32> to vector<1x800x64xf32>
    tpu.vector_store %arg4[%swap3A_250, %swap3A_251, %swap3A_252], %swap3A_255 {strides = array<i32>} : memref<2x6400x64xf32, #tpu.memory_space<vmem>>, vector<1x800x64xf32>,
    %slice3A_256 = vector.extract_strided_slice %add3A_248 {offsets = [0, 64], sizes = [800, 64], strides = [1, 1]} : vector<800x128xf32> to vector<800x64xf32>
    %swap3A_257 = arith.constant 1 : index
    %swap3A_258 = arith.constant 2400 : index
    %swap3A_259 = arith.constant 0 : index
    %swap3A_260 = vector.load %arg4[%swap3A_257, %swap3A_258, %swap3A_259] : memref<2x6400x64xf32, #tpu.memory_space<vmem>>, vector<1x800x64xf32>
    %swap3A_261 = vector.shape_cast %swap3A_260 : vector<1x800x64xf32> to vector<800x64xf32>
    %swap3A_262 = vector.shape_cast %slice3A_256 : vector<800x64xf32> to vector<1x800x64xf32>
    tpu.vector_store %arg4[%swap3A_257, %swap3A_258, %swap3A_259], %swap3A_262 {strides = array<i32>} : memref<2x6400x64xf32, #tpu.memory_space<vmem>>, vector<1x800x64xf32>,
    %get3A_263 = arith.constant 3200 : index
    %get3A_264 = arith.constant 0 : index
    %get3A_265 = vector.load %arg1[%get3A_263, %get3A_264] : memref<6400x128xf32, #tpu.memory_space<vmem>>, vector<800x128xf32>
    %get3A_266 = arith.constant 0 : index
    %get3A_267 = arith.constant 0 : index
    %get3A_268 = vector.load %arg2[%get3A_266, %get3A_267] : memref<800x128xf32, #tpu.memory_space<vmem>>, vector<800x128xf32>
    %add3A_269 = arith.addf %get3A_265, %get3A_268 : vector<800x128xf32>
    %mul3A_270 = arith.mulf %add3A_269, %select_n3A : vector<800x128xf32>
    %mul3A_271 = arith.mulf %add3A_269, %add3A_269 : vector<800x128xf32>
    %mul3A_272 = arith.mulf %mul3A_270, %add3A_269 : vector<800x128xf32>
    %reduce_sum3A_273 = arith.constant dense<0.000000e+00> : vector<800xf32>
    %reduce_sum3A_274 = vector.multi_reduction <add>, %add3A_269, %reduce_sum3A_273 [1] : vector<800x128xf32> to vector<800xf32>
    %broadcast_in_dim3A_275 = vector.shape_cast %reduce_sum3A_274 : vector<800xf32> to vector<800x1xf32>
    %reduce_sum3A_276 = arith.constant dense<0.000000e+00> : vector<800xf32>
    %reduce_sum3A_277 = vector.multi_reduction <add>, %mul3A_270, %reduce_sum3A_276 [1] : vector<800x128xf32> to vector<800xf32>
    %broadcast_in_dim3A_278 = vector.shape_cast %reduce_sum3A_277 : vector<800xf32> to vector<800x1xf32>
    %reduce_sum3A_279 = arith.constant dense<0.000000e+00> : vector<800xf32>
    %reduce_sum3A_280 = vector.multi_reduction <add>, %mul3A_271, %reduce_sum3A_279 [1] : vector<800x128xf32> to vector<800xf32>
    %broadcast_in_dim3A_281 = vector.shape_cast %reduce_sum3A_280 : vector<800xf32> to vector<800x1xf32>
    %reduce_sum3A_282 = arith.constant dense<0.000000e+00> : vector<800xf32>
    %reduce_sum3A_283 = vector.multi_reduction <add>, %mul3A_272, %reduce_sum3A_282 [1] : vector<800x128xf32> to vector<800xf32>
    %broadcast_in_dim3A_284 = vector.shape_cast %reduce_sum3A_283 : vector<800xf32> to vector<800x1xf32>
    %mul3A_285 = vector.broadcast %broadcast_in_dim3A_278 : vector<800x1xf32> to vector<800x128xf32>
    %mul3A_286 = arith.mulf %select_n3A, %mul3A_285 : vector<800x128xf32>
    %add3A_287 = vector.broadcast %broadcast_in_dim3A_275 : vector<800x1xf32> to vector<800x128xf32>
    %add3A_288 = arith.addf %add3A_287, %mul3A_286 : vector<800x128xf32>
    %mul3A_289 = arith.constant 7.812500e-03 : f32
    %mul3A_290 = vector.broadcast %mul3A_289 : f32 to vector<800x128xf32>
    %mul3A_291 = arith.mulf %add3A_288, %mul3A_290 : vector<800x128xf32>
    %mul3A_292 = vector.broadcast %broadcast_in_dim3A_284 : vector<800x1xf32> to vector<800x128xf32>
    %mul3A_293 = arith.mulf %select_n3A, %mul3A_292 : vector<800x128xf32>
    %add3A_294 = vector.broadcast %broadcast_in_dim3A_281 : vector<800x1xf32> to vector<800x128xf32>
    %add3A_295 = arith.addf %add3A_294, %mul3A_293 : vector<800x128xf32>
    %mul3A_296 = arith.constant 5.000000e-01 : f32
    %mul3A_297 = vector.broadcast %mul3A_296 : f32 to vector<800x128xf32>
    %mul3A_298 = arith.mulf %add3A_295, %mul3A_297 : vector<800x128xf32>
    %mul3A_299 = arith.mulf %mul3A_291, %mul3A_291 : vector<800x128xf32>
    %mul3A_300 = arith.constant 6.400000e+01 : f32
    %mul3A_301 = vector.broadcast %mul3A_300 : f32 to vector<800x128xf32>
    %mul3A_302 = arith.mulf %mul3A_299, %mul3A_301 : vector<800x128xf32>
    %sub3A_303 = arith.subf %mul3A_298, %mul3A_302 : vector<800x128xf32>
    %mul3A_304 = arith.constant 0.0158730168 : f32
    %mul3A_305 = vector.broadcast %mul3A_304 : f32 to vector<800x128xf32>
    %mul3A_306 = arith.mulf %sub3A_303, %mul3A_305 : vector<800x128xf32>
    %add3A_307 = arith.constant 1.000000e-18 : f32
    %add3A_308 = vector.broadcast %add3A_307 : f32 to vector<800x128xf32>
    %add3A_309 = arith.addf %mul3A_306, %add3A_308 : vector<800x128xf32>
    %rsqrt3A_310 = math.rsqrt %add3A_309 : vector<800x128xf32>
    %sub3A_311 = arith.subf %add3A_269, %mul3A_291 : vector<800x128xf32>
    %mul3A_312 = arith.mulf %sub3A_311, %rsqrt3A_310 : vector<800x128xf32>
    %add3A_313 = vector.broadcast %get3A_1 : vector<1x128xf32> to vector<800x128xf32>
    %add3A_314 = arith.addf %mul3A_312, %add3A_313 : vector<800x128xf32>
    %slice3A_315 = vector.extract_strided_slice %add3A_314 {offsets = [0, 0], sizes = [800, 64], strides = [1, 1]} : vector<800x128xf32> to vector<800x64xf32>
    %swap3A_316 = arith.constant 0 : index
    %swap3A_317 = arith.constant 3200 : index
    %swap3A_318 = arith.constant 0 : index
    %swap3A_319 = vector.load %arg4[%swap3A_316, %swap3A_317, %swap3A_318] : memref<2x6400x64xf32, #tpu.memory_space<vmem>>, vector<1x800x64xf32>
    %swap3A_320 = vector.shape_cast %swap3A_319 : vector<1x800x64xf32> to vector<800x64xf32>
    %swap3A_321 = vector.shape_cast %slice3A_315 : vector<800x64xf32> to vector<1x800x64xf32>
    tpu.vector_store %arg4[%swap3A_316, %swap3A_317, %swap3A_318], %swap3A_321 {strides = array<i32>} : memref<2x6400x64xf32, #tpu.memory_space<vmem>>, vector<1x800x64xf32>,
    %slice3A_322 = vector.extract_strided_slice %add3A_314 {offsets = [0, 64], sizes = [800, 64], strides = [1, 1]} : vector<800x128xf32> to vector<800x64xf32>
    %swap3A_323 = arith.constant 1 : index
    %swap3A_324 = arith.constant 3200 : index
    %swap3A_325 = arith.constant 0 : index
    %swap3A_326 = vector.load %arg4[%swap3A_323, %swap3A_324, %swap3A_325] : memref<2x6400x64xf32, #tpu.memory_space<vmem>>, vector<1x800x64xf32>
    %swap3A_327 = vector.shape_cast %swap3A_326 : vector<1x800x64xf32> to vector<800x64xf32>
    %swap3A_328 = vector.shape_cast %slice3A_322 : vector<800x64xf32> to vector<1x800x64xf32>
    tpu.vector_store %arg4[%swap3A_323, %swap3A_324, %swap3A_325], %swap3A_328 {strides = array<i32>} : memref<2x6400x64xf32, #tpu.memory_space<vmem>>, vector<1x800x64xf32>,
    %get3A_329 = arith.constant 4000 : index
    %get3A_330 = arith.constant 0 : index
    %get3A_331 = vector.load %arg1[%get3A_329, %get3A_330] : memref<6400x128xf32, #tpu.memory_space<vmem>>, vector<800x128xf32>
    %get3A_332 = arith.constant 0 : index
    %get3A_333 = arith.constant 0 : index
    %get3A_334 = vector.load %arg2[%get3A_332, %get3A_333] : memref<800x128xf32, #tpu.memory_space<vmem>>, vector<800x128xf32>
    %add3A_335 = arith.addf %get3A_331, %get3A_334 : vector<800x128xf32>
    %mul3A_336 = arith.mulf %add3A_335, %select_n3A : vector<800x128xf32>
    %mul3A_337 = arith.mulf %add3A_335, %add3A_335 : vector<800x128xf32>
    %mul3A_338 = arith.mulf %mul3A_336, %add3A_335 : vector<800x128xf32>
    %reduce_sum3A_339 = arith.constant dense<0.000000e+00> : vector<800xf32>
    %reduce_sum3A_340 = vector.multi_reduction <add>, %add3A_335, %reduce_sum3A_339 [1] : vector<800x128xf32> to vector<800xf32>
    %broadcast_in_dim3A_341 = vector.shape_cast %reduce_sum3A_340 : vector<800xf32> to vector<800x1xf32>
    %reduce_sum3A_342 = arith.constant dense<0.000000e+00> : vector<800xf32>
    %reduce_sum3A_343 = vector.multi_reduction <add>, %mul3A_336, %reduce_sum3A_342 [1] : vector<800x128xf32> to vector<800xf32>
    %broadcast_in_dim3A_344 = vector.shape_cast %reduce_sum3A_343 : vector<800xf32> to vector<800x1xf32>
    %reduce_sum3A_345 = arith.constant dense<0.000000e+00> : vector<800xf32>
    %reduce_sum3A_346 = vector.multi_reduction <add>, %mul3A_337, %reduce_sum3A_345 [1] : vector<800x128xf32> to vector<800xf32>
    %broadcast_in_dim3A_347 = vector.shape_cast %reduce_sum3A_346 : vector<800xf32> to vector<800x1xf32>
    %reduce_sum3A_348 = arith.constant dense<0.000000e+00> : vector<800xf32>
    %reduce_sum3A_349 = vector.multi_reduction <add>, %mul3A_338, %reduce_sum3A_348 [1] : vector<800x128xf32> to vector<800xf32>
    %broadcast_in_dim3A_350 = vector.shape_cast %reduce_sum3A_349 : vector<800xf32> to vector<800x1xf32>
    %mul3A_351 = vector.broadcast %broadcast_in_dim3A_344 : vector<800x1xf32> to vector<800x128xf32>
    %mul3A_352 = arith.mulf %select_n3A, %mul3A_351 : vector<800x128xf32>
    %add3A_353 = vector.broadcast %broadcast_in_dim3A_341 : vector<800x1xf32> to vector<800x128xf32>
    %add3A_354 = arith.addf %add3A_353, %mul3A_352 : vector<800x128xf32>
    %mul3A_355 = arith.constant 7.812500e-03 : f32
    %mul3A_356 = vector.broadcast %mul3A_355 : f32 to vector<800x128xf32>
    %mul3A_357 = arith.mulf %add3A_354, %mul3A_356 : vector<800x128xf32>
    %mul3A_358 = vector.broadcast %broadcast_in_dim3A_350 : vector<800x1xf32> to vector<800x128xf32>
    %mul3A_359 = arith.mulf %select_n3A, %mul3A_358 : vector<800x128xf32>
    %add3A_360 = vector.broadcast %broadcast_in_dim3A_347 : vector<800x1xf32> to vector<800x128xf32>
    %add3A_361 = arith.addf %add3A_360, %mul3A_359 : vector<800x128xf32>
    %mul3A_362 = arith.constant 5.000000e-01 : f32
    %mul3A_363 = vector.broadcast %mul3A_362 : f32 to vector<800x128xf32>
    %mul3A_364 = arith.mulf %add3A_361, %mul3A_363 : vector<800x128xf32>
    %mul3A_365 = arith.mulf %mul3A_357, %mul3A_357 : vector<800x128xf32>
    %mul3A_366 = arith.constant 6.400000e+01 : f32
    %mul3A_367 = vector.broadcast %mul3A_366 : f32 to vector<800x128xf32>
    %mul3A_368 = arith.mulf %mul3A_365, %mul3A_367 : vector<800x128xf32>
    %sub3A_369 = arith.subf %mul3A_364, %mul3A_368 : vector<800x128xf32>
    %mul3A_370 = arith.constant 0.0158730168 : f32
    %mul3A_371 = vector.broadcast %mul3A_370 : f32 to vector<800x128xf32>
    %mul3A_372 = arith.mulf %sub3A_369, %mul3A_371 : vector<800x128xf32>
    %add3A_373 = arith.constant 1.000000e-18 : f32
    %add3A_374 = vector.broadcast %add3A_373 : f32 to vector<800x128xf32>
    %add3A_375 = arith.addf %mul3A_372, %add3A_374 : vector<800x128xf32>
    %rsqrt3A_376 = math.rsqrt %add3A_375 : vector<800x128xf32>
    %sub3A_377 = arith.subf %add3A_335, %mul3A_357 : vector<800x128xf32>
    %mul3A_378 = arith.mulf %sub3A_377, %rsqrt3A_376 : vector<800x128xf32>
    %add3A_379 = vector.broadcast %get3A_1 : vector<1x128xf32> to vector<800x128xf32>
    %add3A_380 = arith.addf %mul3A_378, %add3A_379 : vector<800x128xf32>
    %slice3A_381 = vector.extract_strided_slice %add3A_380 {offsets = [0, 0], sizes = [800, 64], strides = [1, 1]} : vector<800x128xf32> to vector<800x64xf32>
    %swap3A_382 = arith.constant 0 : index
    %swap3A_383 = arith.constant 4000 : index
    %swap3A_384 = arith.constant 0 : index
    %swap3A_385 = vector.load %arg4[%swap3A_382, %swap3A_383, %swap3A_384] : memref<2x6400x64xf32, #tpu.memory_space<vmem>>, vector<1x800x64xf32>
    %swap3A_386 = vector.shape_cast %swap3A_385 : vector<1x800x64xf32> to vector<800x64xf32>
    %swap3A_387 = vector.shape_cast %slice3A_381 : vector<800x64xf32> to vector<1x800x64xf32>
    tpu.vector_store %arg4[%swap3A_382, %swap3A_383, %swap3A_384], %swap3A_387 {strides = array<i32>} : memref<2x6400x64xf32, #tpu.memory_space<vmem>>, vector<1x800x64xf32>,
    %slice3A_388 = vector.extract_strided_slice %add3A_380 {offsets = [0, 64], sizes = [800, 64], strides = [1, 1]} : vector<800x128xf32> to vector<800x64xf32>
    %swap3A_389 = arith.constant 1 : index
    %swap3A_390 = arith.constant 4000 : index
    %swap3A_391 = arith.constant 0 : index
    %swap3A_392 = vector.load %arg4[%swap3A_389, %swap3A_390, %swap3A_391] : memref<2x6400x64xf32, #tpu.memory_space<vmem>>, vector<1x800x64xf32>
    %swap3A_393 = vector.shape_cast %swap3A_392 : vector<1x800x64xf32> to vector<800x64xf32>
    %swap3A_394 = vector.shape_cast %slice3A_388 : vector<800x64xf32> to vector<1x800x64xf32>
    tpu.vector_store %arg4[%swap3A_389, %swap3A_390, %swap3A_391], %swap3A_394 {strides = array<i32>} : memref<2x6400x64xf32, #tpu.memory_space<vmem>>, vector<1x800x64xf32>,
    %get3A_395 = arith.constant 4800 : index
    %get3A_396 = arith.constant 0 : index
    %get3A_397 = vector.load %arg1[%get3A_395, %get3A_396] : memref<6400x128xf32, #tpu.memory_space<vmem>>, vector<800x128xf32>
    %get3A_398 = arith.constant 0 : index
    %get3A_399 = arith.constant 0 : index
    %get3A_400 = vector.load %arg2[%get3A_398, %get3A_399] : memref<800x128xf32, #tpu.memory_space<vmem>>, vector<800x128xf32>
    %add3A_401 = arith.addf %get3A_397, %get3A_400 : vector<800x128xf32>
    %mul3A_402 = arith.mulf %add3A_401, %select_n3A : vector<800x128xf32>
    %mul3A_403 = arith.mulf %add3A_401, %add3A_401 : vector<800x128xf32>
    %mul3A_404 = arith.mulf %mul3A_402, %add3A_401 : vector<800x128xf32>
    %reduce_sum3A_405 = arith.constant dense<0.000000e+00> : vector<800xf32>
    %reduce_sum3A_406 = vector.multi_reduction <add>, %add3A_401, %reduce_sum3A_405 [1] : vector<800x128xf32> to vector<800xf32>
    %broadcast_in_dim3A_407 = vector.shape_cast %reduce_sum3A_406 : vector<800xf32> to vector<800x1xf32>
    %reduce_sum3A_408 = arith.constant dense<0.000000e+00> : vector<800xf32>
    %reduce_sum3A_409 = vector.multi_reduction <add>, %mul3A_402, %reduce_sum3A_408 [1] : vector<800x128xf32> to vector<800xf32>
    %broadcast_in_dim3A_410 = vector.shape_cast %reduce_sum3A_409 : vector<800xf32> to vector<800x1xf32>
    %reduce_sum3A_411 = arith.constant dense<0.000000e+00> : vector<800xf32>
    %reduce_sum3A_412 = vector.multi_reduction <add>, %mul3A_403, %reduce_sum3A_411 [1] : vector<800x128xf32> to vector<800xf32>
    %broadcast_in_dim3A_413 = vector.shape_cast %reduce_sum3A_412 : vector<800xf32> to vector<800x1xf32>
    %reduce_sum3A_414 = arith.constant dense<0.000000e+00> : vector<800xf32>
    %reduce_sum3A_415 = vector.multi_reduction <add>, %mul3A_404, %reduce_sum3A_414 [1] : vector<800x128xf32> to vector<800xf32>
    %broadcast_in_dim3A_416 = vector.shape_cast %reduce_sum3A_415 : vector<800xf32> to vector<800x1xf32>
    %mul3A_417 = vector.broadcast %broadcast_in_dim3A_410 : vector<800x1xf32> to vector<800x128xf32>
    %mul3A_418 = arith.mulf %select_n3A, %mul3A_417 : vector<800x128xf32>
    %add3A_419 = vector.broadcast %broadcast_in_dim3A_407 : vector<800x1xf32> to vector<800x128xf32>
    %add3A_420 = arith.addf %add3A_419, %mul3A_418 : vector<800x128xf32>
    %mul3A_421 = arith.constant 7.812500e-03 : f32
    %mul3A_422 = vector.broadcast %mul3A_421 : f32 to vector<800x128xf32>
    %mul3A_423 = arith.mulf %add3A_420, %mul3A_422 : vector<800x128xf32>
    %mul3A_424 = vector.broadcast %broadcast_in_dim3A_416 : vector<800x1xf32> to vector<800x128xf32>
    %mul3A_425 = arith.mulf %select_n3A, %mul3A_424 : vector<800x128xf32>
    %add3A_426 = vector.broadcast %broadcast_in_dim3A_413 : vector<800x1xf32> to vector<800x128xf32>
    %add3A_427 = arith.addf %add3A_426, %mul3A_425 : vector<800x128xf32>
    %mul3A_428 = arith.constant 5.000000e-01 : f32
    %mul3A_429 = vector.broadcast %mul3A_428 : f32 to vector<800x128xf32>
    %mul3A_430 = arith.mulf %add3A_427, %mul3A_429 : vector<800x128xf32>
    %mul3A_431 = arith.mulf %mul3A_423, %mul3A_423 : vector<800x128xf32>
    %mul3A_432 = arith.constant 6.400000e+01 : f32
    %mul3A_433 = vector.broadcast %mul3A_432 : f32 to vector<800x128xf32>
    %mul3A_434 = arith.mulf %mul3A_431, %mul3A_433 : vector<800x128xf32>
    %sub3A_435 = arith.subf %mul3A_430, %mul3A_434 : vector<800x128xf32>
    %mul3A_436 = arith.constant 0.0158730168 : f32
    %mul3A_437 = vector.broadcast %mul3A_436 : f32 to vector<800x128xf32>
    %mul3A_438 = arith.mulf %sub3A_435, %mul3A_437 : vector<800x128xf32>
    %add3A_439 = arith.constant 1.000000e-18 : f32
    %add3A_440 = vector.broadcast %add3A_439 : f32 to vector<800x128xf32>
    %add3A_441 = arith.addf %mul3A_438, %add3A_440 : vector<800x128xf32>
    %rsqrt3A_442 = math.rsqrt %add3A_441 : vector<800x128xf32>
    %sub3A_443 = arith.subf %add3A_401, %mul3A_423 : vector<800x128xf32>
    %mul3A_444 = arith.mulf %sub3A_443, %rsqrt3A_442 : vector<800x128xf32>
    %add3A_445 = vector.broadcast %get3A_1 : vector<1x128xf32> to vector<800x128xf32>
    %add3A_446 = arith.addf %mul3A_444, %add3A_445 : vector<800x128xf32>
    %slice3A_447 = vector.extract_strided_slice %add3A_446 {offsets = [0, 0], sizes = [800, 64], strides = [1, 1]} : vector<800x128xf32> to vector<800x64xf32>
    %swap3A_448 = arith.constant 0 : index
    %swap3A_449 = arith.constant 4800 : index
    %swap3A_450 = arith.constant 0 : index
    %swap3A_451 = vector.load %arg4[%swap3A_448, %swap3A_449, %swap3A_450] : memref<2x6400x64xf32, #tpu.memory_space<vmem>>, vector<1x800x64xf32>
    %swap3A_452 = vector.shape_cast %swap3A_451 : vector<1x800x64xf32> to vector<800x64xf32>
    %swap3A_453 = vector.shape_cast %slice3A_447 : vector<800x64xf32> to vector<1x800x64xf32>
    tpu.vector_store %arg4[%swap3A_448, %swap3A_449, %swap3A_450], %swap3A_453 {strides = array<i32>} : memref<2x6400x64xf32, #tpu.memory_space<vmem>>, vector<1x800x64xf32>,
    %slice3A_454 = vector.extract_strided_slice %add3A_446 {offsets = [0, 64], sizes = [800, 64], strides = [1, 1]} : vector<800x128xf32> to vector<800x64xf32>
    %swap3A_455 = arith.constant 1 : index
    %swap3A_456 = arith.constant 4800 : index
    %swap3A_457 = arith.constant 0 : index
    %swap3A_458 = vector.load %arg4[%swap3A_455, %swap3A_456, %swap3A_457] : memref<2x6400x64xf32, #tpu.memory_space<vmem>>, vector<1x800x64xf32>
    %swap3A_459 = vector.shape_cast %swap3A_458 : vector<1x800x64xf32> to vector<800x64xf32>
    %swap3A_460 = vector.shape_cast %slice3A_454 : vector<800x64xf32> to vector<1x800x64xf32>
    tpu.vector_store %arg4[%swap3A_455, %swap3A_456, %swap3A_457], %swap3A_460 {strides = array<i32>} : memref<2x6400x64xf32, #tpu.memory_space<vmem>>, vector<1x800x64xf32>,
    %get3A_461 = arith.constant 5600 : index
    %get3A_462 = arith.constant 0 : index
    %get3A_463 = vector.load %arg1[%get3A_461, %get3A_462] : memref<6400x128xf32, #tpu.memory_space<vmem>>, vector<800x128xf32>
    %get3A_464 = arith.constant 0 : index
    %get3A_465 = arith.constant 0 : index
    %get3A_466 = vector.load %arg2[%get3A_464, %get3A_465] : memref<800x128xf32, #tpu.memory_space<vmem>>, vector<800x128xf32>
    %add3A_467 = arith.addf %get3A_463, %get3A_466 : vector<800x128xf32>
    %mul3A_468 = arith.mulf %add3A_467, %select_n3A : vector<800x128xf32>
    %mul3A_469 = arith.mulf %add3A_467, %add3A_467 : vector<800x128xf32>
    %mul3A_470 = arith.mulf %mul3A_468, %add3A_467 : vector<800x128xf32>
    %reduce_sum3A_471 = arith.constant dense<0.000000e+00> : vector<800xf32>
    %reduce_sum3A_472 = vector.multi_reduction <add>, %add3A_467, %reduce_sum3A_471 [1] : vector<800x128xf32> to vector<800xf32>
    %broadcast_in_dim3A_473 = vector.shape_cast %reduce_sum3A_472 : vector<800xf32> to vector<800x1xf32>
    %reduce_sum3A_474 = arith.constant dense<0.000000e+00> : vector<800xf32>
    %reduce_sum3A_475 = vector.multi_reduction <add>, %mul3A_468, %reduce_sum3A_474 [1] : vector<800x128xf32> to vector<800xf32>
    %broadcast_in_dim3A_476 = vector.shape_cast %reduce_sum3A_475 : vector<800xf32> to vector<800x1xf32>
    %reduce_sum3A_477 = arith.constant dense<0.000000e+00> : vector<800xf32>
    %reduce_sum3A_478 = vector.multi_reduction <add>, %mul3A_469, %reduce_sum3A_477 [1] : vector<800x128xf32> to vector<800xf32>
    %broadcast_in_dim3A_479 = vector.shape_cast %reduce_sum3A_478 : vector<800xf32> to vector<800x1xf32>
    %reduce_sum3A_480 = arith.constant dense<0.000000e+00> : vector<800xf32>
    %reduce_sum3A_481 = vector.multi_reduction <add>, %mul3A_470, %reduce_sum3A_480 [1] : vector<800x128xf32> to vector<800xf32>
    %broadcast_in_dim3A_482 = vector.shape_cast %reduce_sum3A_481 : vector<800xf32> to vector<800x1xf32>
    %mul3A_483 = vector.broadcast %broadcast_in_dim3A_476 : vector<800x1xf32> to vector<800x128xf32>
    %mul3A_484 = arith.mulf %select_n3A, %mul3A_483 : vector<800x128xf32>
    %add3A_485 = vector.broadcast %broadcast_in_dim3A_473 : vector<800x1xf32> to vector<800x128xf32>
    %add3A_486 = arith.addf %add3A_485, %mul3A_484 : vector<800x128xf32>
    %mul3A_487 = arith.constant 7.812500e-03 : f32
    %mul3A_488 = vector.broadcast %mul3A_487 : f32 to vector<800x128xf32>
    %mul3A_489 = arith.mulf %add3A_486, %mul3A_488 : vector<800x128xf32>
    %mul3A_490 = vector.broadcast %broadcast_in_dim3A_482 : vector<800x1xf32> to vector<800x128xf32>
    %mul3A_491 = arith.mulf %select_n3A, %mul3A_490 : vector<800x128xf32>
    %add3A_492 = vector.broadcast %broadcast_in_dim3A_479 : vector<800x1xf32> to vector<800x128xf32>
    %add3A_493 = arith.addf %add3A_492, %mul3A_491 : vector<800x128xf32>
    %mul3A_494 = arith.constant 5.000000e-01 : f32
    %mul3A_495 = vector.broadcast %mul3A_494 : f32 to vector<800x128xf32>
    %mul3A_496 = arith.mulf %add3A_493, %mul3A_495 : vector<800x128xf32>
    %mul3A_497 = arith.mulf %mul3A_489, %mul3A_489 : vector<800x128xf32>
    %mul3A_498 = arith.constant 6.400000e+01 : f32
    %mul3A_499 = vector.broadcast %mul3A_498 : f32 to vector<800x128xf32>
    %mul3A_500 = arith.mulf %mul3A_497, %mul3A_499 : vector<800x128xf32>
    %sub3A_501 = arith.subf %mul3A_496, %mul3A_500 : vector<800x128xf32>
    %mul3A_502 = arith.constant 0.0158730168 : f32
    %mul3A_503 = vector.broadcast %mul3A_502 : f32 to vector<800x128xf32>
    %mul3A_504 = arith.mulf %sub3A_501, %mul3A_503 : vector<800x128xf32>
    %add3A_505 = arith.constant 1.000000e-18 : f32
    %add3A_506 = vector.broadcast %add3A_505 : f32 to vector<800x128xf32>
    %add3A_507 = arith.addf %mul3A_504, %add3A_506 : vector<800x128xf32>
    %rsqrt3A_508 = math.rsqrt %add3A_507 : vector<800x128xf32>
    %sub3A_509 = arith.subf %add3A_467, %mul3A_489 : vector<800x128xf32>
    %mul3A_510 = arith.mulf %sub3A_509, %rsqrt3A_508 : vector<800x128xf32>
    %add3A_511 = vector.broadcast %get3A_1 : vector<1x128xf32> to vector<800x128xf32>
    %add3A_512 = arith.addf %mul3A_510, %add3A_511 : vector<800x128xf32>
    %slice3A_513 = vector.extract_strided_slice %add3A_512 {offsets = [0, 0], sizes = [800, 64], strides = [1, 1]} : vector<800x128xf32> to vector<800x64xf32>
    %swap3A_514 = arith.constant 0 : index
    %swap3A_515 = arith.constant 5600 : index
    %swap3A_516 = arith.constant 0 : index
    %swap3A_517 = vector.load %arg4[%swap3A_514, %swap3A_515, %swap3A_516] : memref<2x6400x64xf32, #tpu.memory_space<vmem>>, vector<1x800x64xf32>
    %swap3A_518 = vector.shape_cast %swap3A_517 : vector<1x800x64xf32> to vector<800x64xf32>
    %swap3A_519 = vector.shape_cast %slice3A_513 : vector<800x64xf32> to vector<1x800x64xf32>
    tpu.vector_store %arg4[%swap3A_514, %swap3A_515, %swap3A_516], %swap3A_519 {strides = array<i32>} : memref<2x6400x64xf32, #tpu.memory_space<vmem>>, vector<1x800x64xf32>,
    %slice3A_520 = vector.extract_strided_slice %add3A_512 {offsets = [0, 64], sizes = [800, 64], strides = [1, 1]} : vector<800x128xf32> to vector<800x64xf32>
    %swap3A_521 = arith.constant 1 : index
    %swap3A_522 = arith.constant 5600 : index
    %swap3A_523 = arith.constant 0 : index
    %swap3A_524 = vector.load %arg4[%swap3A_521, %swap3A_522, %swap3A_523] : memref<2x6400x64xf32, #tpu.memory_space<vmem>>, vector<1x800x64xf32>
    %swap3A_525 = vector.shape_cast %swap3A_524 : vector<1x800x64xf32> to vector<800x64xf32>
    %swap3A_526 = vector.shape_cast %slice3A_520 : vector<800x64xf32> to vector<1x800x64xf32>
    tpu.vector_store %arg4[%swap3A_521, %swap3A_522, %swap3A_523], %swap3A_526 {strides = array<i32>} : memref<2x6400x64xf32, #tpu.memory_space<vmem>>, vector<1x800x64xf32>,
    return
  }
  func.func @transform_0(%arg0: i32) -> (i32, i32) {
    %c0_i32 = arith.constant 0 : i32
    %c0_i32_0 = arith.constant 0 : i32
    return %arg0, %c0_i32 : i32, i32
  }
  func.func @transform_1(%arg0: i32) -> (i32, i32) {
    %c0_i32 = arith.constant 0 : i32
    %c0_i32_0 = arith.constant 0 : i32
    %c0_i32_1 = arith.constant 0 : i32
    return %c0_i32, %c0_i32_0 : i32, i32
  }
  func.func @transform_2(%arg0: i32) -> (i32, i32) {
    %c0_i32 = arith.constant 0 : i32
    %c0_i32_0 = arith.constant 0 : i32
    %c0_i32_1 = arith.constant 0 : i32
    return %c0_i32, %c0_i32_0 : i32, i32
  }
  func.func @transform_3(%arg0: i32) -> (i32, i32, i32) {
    %jit3A = arith.constant 2 : i32
    %div3A = arith.divsi %arg0, %jit3A : i32
    %sign3A = arith.constant 0 : i32
    %sign3A_0 = arith.cmpi sgt, %arg0, %sign3A : i32
    %sign3A_1 = arith.extui %sign3A_0 : i1 to i32
    %sign3A_2 = arith.constant 0 : i32
    %sign3A_3 = arith.cmpi slt, %arg0, %sign3A_2 : i32
    %sign3A_4 = arith.extui %sign3A_3 : i1 to i32
    %sign3A_5 = arith.subi %sign3A_1, %sign3A_4 : i32
    %sign3A_6 = arith.constant 0 : i32
    %sign3A_7 = arith.cmpi sgt, %jit3A, %sign3A_6 : i32
    %sign3A_8 = arith.extui %sign3A_7 : i1 to i32
    %sign3A_9 = arith.constant 0 : i32
    %sign3A_10 = arith.cmpi slt, %jit3A, %sign3A_9 : i32
    %sign3A_11 = arith.extui %sign3A_10 : i1 to i32
    %sign3A_12 = arith.subi %sign3A_8, %sign3A_11 : i32
    %ne3A = arith.cmpi ne, %sign3A_5, %sign3A_12 : i32
    %rem3A = arith.remsi %arg0, %jit3A : i32
    %ne3A_13 = arith.constant 0 : i32
    %ne3A_14 = arith.cmpi ne, %rem3A, %ne3A_13 : i32
    %and3A = arith.andi %ne3A, %ne3A_14 : i1
    %sub3A = arith.constant 1 : i32
    %sub3A_15 = arith.subi %div3A, %sub3A : i32
    %select_n3A = arith.select %and3A, %sub3A_15, %div3A : i32
    %jit3A_16 = arith.constant 2 : i32
    %eq3A = arith.constant 0 : i32
    %eq3A_17 = arith.cmpi eq, %jit3A_16, %eq3A : i32
    %jit3A_18 = arith.constant 1 : i32
    %select_n3A_19 = arith.select %eq3A_17, %jit3A_18, %jit3A_16 : i32
    %rem3A_20 = arith.remsi %arg0, %select_n3A_19 : i32
    %ne3A_21 = arith.constant 0 : i32
    %ne3A_22 = arith.cmpi ne, %rem3A_20, %ne3A_21 : i32
    %lt3A = arith.constant 0 : i32
    %lt3A_23 = arith.cmpi slt, %rem3A_20, %lt3A : i32
    %lt3A_24 = arith.constant 0 : i32
    %lt3A_25 = arith.cmpi slt, %select_n3A_19, %lt3A_24 : i32
    %ne3A_26 = arith.xori %lt3A_23, %lt3A_25 : i1
    %and3A_27 = arith.andi %ne3A_26, %ne3A_22 : i1
    %add3A = arith.addi %rem3A_20, %select_n3A_19 : i32
    %select_n3A_28 = arith.select %and3A_27, %add3A, %rem3A_20 : i32
    %c0_i32 = arith.constant 0 : i32
    %c0_i32_29 = arith.constant 0 : i32
    return %select_n3A, %select_n3A_28, %c0_i32 : i32, i32, i32
  }
}

</mosaic_0001>

<sc_bundles>
// kernel: kernel.4.cloned.1.call-start
scs
__scs_entry_jumppad:
0x0: {  	(pc) =	sbr.rel $0x88, $3  }
0x1: {  	(tag) =	ssettag $0x0;
	lr =	simm.s32 $0x1  }
0x2: {  	[smem:$0x3F9D] =	sst lr;
	_ =	strace $0xD0000000  }
0x3: {  	_ = 	snop  }
0x4: {  	_ = 	snop  }
0x5: {  	_ = 	snop  }
0x6: {  	_ = 	snop  }
0x7: {  	_ = 	snop  }
__scs_overlays_trampoline_lowered:
0x8: {  	[smem:$0x3FAC] =	sst s0  }
0x9: {  	[smem:$0x3FAD] =	sst s1  }
0xa: {  	[smem:$0x3FAE] =	sst s2  }
0xb: {  	[smem:$0x3FAF] =	sst s3  }
0xc: {  	[smem:$0x3FB0] =	sst s4  }
0xd: {  	[smem:$0x3FB1] =	sst s5  }
0xe: {  	[smem:$0x3FB2] =	sst s6  }
0xf: {  	[smem:$0x3FB3] =	sst s7  }
0x10: {  	[smem:$0x3FB4] =	sst s8  }
0x11: {  	[smem:$0x3FB5] =	sst s9;
	s0 =	simm.s32 @!p0 $0x0  }
0x12: {  	s1 =	sld [smem:$0x3F9B];
	s0 =	simm.s32 @p0 $0x1  }
0x13: {  	[smem:$0x3FB6] =	sst s0;
	s0 =	simm.s32 @!p1 $0x0  }
0x14: {  	s2 =	sld [smem:$0x3F9A];
	s0 =	simm.s32 @p1 $0x1  }
0x15: {  	[smem:$0x3FB7] =	sst s0;
	s0 =	simm.s32 @!p2 $0x0  }
0x16: {  	s3 =	sld [smem:$0x3FDB];
	s0 =	simm.s32 @p2 $0x1  }
0x17: {  	s4 =	simm.s32 $0x1BF5;
	[smem:$0x3FB9] =	sst s0  }
0x18: {  	s0 =	sld [smem:$0x3F9C];
	_ =	swait.ge [sflag:s4], $0x0  }
0x19: {  	s7 =	sld [smem:$0x3F9D]  }
0x1a: {  	s8 =	sadd.s32 $0xFFFFE003, lr  }
0x1b: {  	s9 =	sadd.s32 $0xFFFFFEF7, lr;
	s5 =	simm.s32 $0xFFFFFFFF;
	p2 =	slt.u32 s8, $0xFFFFF086  }
0x1c: {  	p1 =	slt.u32 s9, $0xF7A;
	s5 =	simm.s32 @!p2 $0x0  }
0x1d: {  	s5 =	simm.s32 @p1 $0x1;
	p0 =	seq.s32 s7, s2  }
0x1e: {  	s7 =	smul.u32 @!p0 $0xF7A, s2;
	p2 =	seq.s32 @!p0 s5, $0x0  }
0x1f: {  	s9 =	smul.u32 $0xF7A, s1;
	s8 =	simm.s32 @!p0 $0x1BF5;
	p2 =	por !p2, p0  }
0x20: {  	[sflag:s8] =	ssyncset.s32 @!p0 $0xFFFFF086;
	s6 =	sadd.s32 @!p0 s3, s7;
	s7 =	simm.s32 @!p0 $0x108  }
0x21: {  	s3 =	sadd.s32 s3, s9;
	s6 =	sadd.s32 @!p0 $0x88, s6;
	s7 =	simm.s32 @p2 $0x1082  }
0x22: {  	[simem:s7], [sflag:s8] =	dma.local @!p0 [hbm:s6], $0xF7A  }
0x23: {  	s9 =	sor.u32 $0xD0000000, s2;
	s6 =	simm.s32 $0x108;
	_ =	swait.ge @!p0 [sflag:s8], $0x0  }
0x24: {  	s3 =	sadd.s32 $0x88, s3;
	s6 =	simm.s32 @!p1 $0x1082;
	[sflag:s4] =	ssyncset.s32 $0xFFFFF086  }
0x25: {  	[simem:s6], [sflag:s4] =	dma.local [hbm:s3], $0xF7A  }
0x26: {  	[smem:$0x3F9D] =	sst s1;
	(tag) =	ssettag s2;
	_ =	strace s9  }
0x27: {  	s1 =	sld [smem:$0x3FAD]  }
0x28: {  	s2 =	sld [smem:$0x3FAE]  }
0x29: {  	s4 =	sld [smem:$0x3FB0]  }
0x2a: {  	p0 =	seq.s32 s5, $0x0;
	s5 =	sld [smem:$0x3FB1]  }
0x2b: {  	s6 =	sld [smem:$0x3FB2]  }
0x2c: {  	s7 =	sld [smem:$0x3FB3]  }
0x2d: {  	s3 =	simm.s32 $0x108;
	s8 =	sld [smem:$0x3FB4]  }
0x2e: {  	s3 =	simm.s32 @!p0 $0x1082;
	s9 =	sld [smem:$0x3FB5]  }
0x2f: {  	lr =	sadd.s32 s0, s3;
	s0 =	sld [smem:$0x3FAC]  }
0x30: {  	s3 =	sld [smem:$0x3FAF]  }
0x31: {  	[smem:$0x3FB8] =	sst s10  }
0x32: {  	s10 =	sld [smem:$0x3FB6];
	_ =	sdelay $0x3  }
0x33: {  	p0 =	seq.s32 s10, $0x1;
	s10 =	sld [smem:$0x3FB8];
	_ =	sdelay $0x3  }
0x34: {  	[smem:$0x3FB8] =	sst s10  }
0x35: {  	s10 =	sld [smem:$0x3FB7];
	_ =	sdelay $0x3  }
0x36: {  	p1 =	seq.s32 s10, $0x1;
	s10 =	sld [smem:$0x3FB8];
	_ =	sdelay $0x3  }
0x37: {  	[smem:$0x3FB8] =	sst s10  }
0x38: {  	s10 =	sld [smem:$0x3FB9]  }
0x39: {  	_ = 	snop;
	(pc) =	sbr.ind lr, $3  }
0x3a: {  	_ = 	snop  }
0x3b: {  	_ = 	snop  }
0x3c: {  	p2 =	seq.s32 s10, $0x1;
	s10 =	sld [smem:$0x3FB8]  }
0x3d: {  	_ =	shalt  }
0x3e: {  	_ =	shalt  }
0x3f: {  	_ =	shalt  }
0x40: {  	_ =	shalt  }
0x41: {  	_ =	shalt  }
0x42: {  	_ =	shalt  }
0x43: {  	_ =	shalt  }
0x44: {  	_ =	shalt  }
0x45: {  	_ =	shalt  }
0x46: {  	_ =	shalt  }
0x47: {  	_ =	shalt  }
0x48: {  	_ =	shalt  }
0x49: {  	_ =	shalt  }
0x4a: {  	_ =	shalt  }
0x4b: {  	_ =	shalt  }
0x4c: {  	_ =	shalt  }
0x4d: {  	_ =	shalt  }
0x4e: {  	_ =	shalt  }
0x4f: {  	_ =	shalt  }
0x50: {  	_ =	shalt  }
0x51: {  	_ =	shalt  }
0x52: {  	_ =	shalt  }
0x53: {  	_ =	shalt  }
0x54: {  	_ =	shalt  }
0x55: {  	_ =	shalt  }
0x56: {  	_ =	shalt  }
0x57: {  	_ =	shalt  }
0x58: {  	_ =	shalt  }
0x59: {  	_ =	shalt  }
0x5a: {  	_ =	shalt  }
0x5b: {  	_ =	shalt  }
0x5c: {  	_ =	shalt  }
0x5d: {  	_ =	shalt  }
0x5e: {  	_ =	shalt  }
0x5f: {  	_ =	shalt  }
0x60: {  	_ =	shalt  }
0x61: {  	_ =	shalt  }
0x62: {  	_ =	shalt  }
0x63: {  	_ =	shalt  }
0x64: {  	_ =	shalt  }
0x65: {  	_ =	shalt  }
0x66: {  	_ =	shalt  }
0x67: {  	_ =	shalt  }
0x68: {  	_ =	shalt  }
0x69: {  	_ =	shalt  }
0x6a: {  	_ =	shalt  }
0x6b: {  	_ =	shalt  }
0x6c: {  	_ =	shalt  }
0x6d: {  	_ =	shalt  }
0x6e: {  	_ =	shalt  }
0x6f: {  	_ =	shalt  }
0x70: {  	_ =	shalt  }
0x71: {  	_ =	shalt  }
0x72: {  	_ =	shalt  }
0x73: {  	_ =	shalt  }
0x74: {  	_ =	shalt  }
0x75: {  	_ =	shalt  }
0x76: {  	_ =	shalt  }
0x77: {  	_ =	shalt  }
0x78: {  	_ =	shalt  }
0x79: {  	_ =	shalt  }
0x7a: {  	_ =	shalt  }
0x7b: {  	_ =	shalt  }
0x7c: {  	_ =	shalt  }
0x7d: {  	_ =	shalt  }
0x7e: {  	_ =	shalt  }
0x7f: {  	_ =	shalt  }
0x80: {  	_ =	shalt  }
0x81: {  	_ =	shalt  }
0x82: {  	_ =	shalt  }
0x83: {  	_ =	shalt  }
0x84: {  	_ =	shalt  }
0x85: {  	_ =	shalt  }
0x86: {  	_ =	shalt  }
0x87: {  	_ =	shalt  }
.Lfunc_end0:
.L_simem_size_0:
called_computation.1_lowered:
.L_overlay_start_0:
0x88: {  	s2 =	sld [smem:$0x3FD9]  }
0x89: {  	s3 =	sld [smem:$0x3FFE];
	_ =	sdelay $0x1  }
0x8a: {  	s1 =	srdreg.scid  }
0x8b: {  	s0 =	sand.u32 $0x1, s1  }
0x8c: {  	s17 =	sshll.u32 s0, $0xA;
	s2 =	sadd.s32 s3, s2  }
0x8d: {  	s2 =	sadd.s32 s2, s17  }
0x8e: {  	[smem:$0x3FC4] =	sst s2  }
0x8f: {  	_ = 	snop  }
0x90: {  	s2 =	sld [smem:$0x3FD0];
	(tm) =	ssettm $0x1  }
0x91: {  	s18 =	sld [smem:$0x3FFB];
	_ =	sdelay $0x3  }
0x92: {  	_ =	strace s18  }
0x93: {  	s3 =	sld [smem:$0x3FFC];
	_ =	sdelay $0x3  }
0x94: {  	_ =	strace s3  }
0x95: {  	s3 =	sld [smem:$0x3FFD];
	_ =	sdelay $0x3  }
0x96: {  	_ =	strace s3  }
0x97: {  	_ =	strace $0x8FFFFFFF  }
0x98: {  	s19 =	sld [smem:$0x3FDB];
	_ =	sdelay $0x1  }
0x99: {  	s4 =	simm.s32 $_scs_section_size  }
0x9a: {  	s5 =	simm.s32 $_size__tile_overlayer_lowered;
	s6 =	simm.s32 $_tile_overlayer_lowered  }
0x9b: {  	s22 =	simm.s32 $0x1BFF;
	s21 =	sshll.u32 s6, $0x1;
	s3 =	sadd.s32 s4, s19  }
0x9c: {  	s7 =	simm.s32 $0x0;
	s20 =	sshll.u32 s5, $0x1;
	s5 =	sadd.s32 s21, s3  }
0x9d: {  	[timem:s7], [sflag:s22] =	dma.local [hbm:s5], s20  }
0x9e: {  	_ =	swait.ge [sflag:s22], s20  }
0x9f: {  	s4 =	ssub.s32 $0x0, s20;
	[sflag:s22] =	ssyncset.done $0x0  }
0xa0: {  	[sflag:s22] =	ssyncadd.s32 s4;
	_ =	sdelay $0x1  }
0xa1: {  	s23 =	simm.s32 $0x1B8B  }
0xa2: {  	_ =	swait.ge [sflag:s23], $0x1  }
0xa3: {  	[sflag:s23] =	ssyncset.done $0x0  }
0xa4: {  	s25 =	simm.s32 $0x1B8E;
	s24 =	sld [smem:$0x3FFE];
	[sflag:s23] =	ssyncadd.s32 $0xFFFFFFFF  }
0xa5: {  	s26 =	simm.s32 $execute0_lowered;
	[smem:$0x3FD2] =	sst s25  }
0xa6: {  	s5 =	sshll.u32 s26, $0x1;
	_ =	strace $0x80000046;
	[dreg:$0x1] =	wrdreg $0xFFFFFFFF  }
0xa7: {  	s28 =	simm.s32 $_size_execute0_lowered;
	s3 =	sadd.s32 s3, s5;
	[dreg:$0x0] =	wrdreg $0x0  }
0xa8: {  	s5 =	sshll.u32 s28, $0x1;
	[dreg:$0x2] =	wrdreg s3  }
0xa9: {  	[dreg:$0x3] =	wrdreg s5  }
0xaa: {  	[dreg:$0x4] =	wrdreg $0xC0  }
0xab: {  	_ =	task [dreg:s7], $0x5FFFF  }
0xac: {  	[dreg:$0x1] =	wrdreg $0xFFFFFFFF  }
0xad: {  	[dreg:$0x0] =	wrdreg $0x60  }
0xae: {  	[dreg:$0x2] =	wrdreg s24  }
0xaf: {  	[dreg:$0x3] =	wrdreg s2  }
0xb0: {  	[dreg:$0x4] =	wrdreg $0x9  }
0xb1: {  	_ =	task.clear_ibuf [dreg:s7], $0x5FFFF;
	_ =	strace $0x90000046  }
0xb2: {  	s29 =	simm.s32 $0x9;
	_ =	strace $0x80000048  }
0xb3: {  	_ =	swait.ge [sflag:s29], $0x1  }
0xb4: {  	[sflag:s29] =	ssyncadd.s32 $0xFFFFFFFF  }
0xb5: {  	_ =	strace $0x90000048  }
0xb6: {  	_ =	sfence  }
0xb7: {  	s30 =	sld [smem:$0x0];
	_ =	sdelay $0x2  }
0xb8: {  	s31 =	sshll.u32 s1, $0xD;
	s1 =	sshrl.u32 s1, $0x2  }
0xb9: {  	s3 =	sand.u32 $0x4000, s31;
	s1 =	sadd.s32 s1, s30  }
0xba: {  	s0 =	sor.u32 s3, s0;
	s1 =	sshll.u32 s1, $0x11  }
0xbb: {  	s0 =	sor.u32 s1, s0  }
0xbc: {  	s0 =	sadd.s32 $0x8F2B, s0  }
0xbd: {  	[sflag:s0] =	ssyncadd.remote.s32 $0x1  }
0xbe: {  	_ =	sfence.sel $0xFFFF  }
0xbf: {  	[dreg:$0x0] =	wrdreg $0xFFFFFFFF;
	(pc) =	sbr.abs _section_cstart, $3  }
0xc0: {  	[dreg:$0x1] =	wrdreg $0xFFFFFFFF  }
0xc1: {  	_ =	task.clear_ibuf [dreg:s7], $0x2FFFF;
	_ =	strace $0x9FFFFFFF  }
0xc2: {  	(tm) =	ssettm $0x7FFFFFFF  }
0xc3: {  	_ =	shalt  }
tec
execute0_lowered:
.L_overlay_start_1:
0x0: {  	(tag) =	ssettag $0x1  }
0x1: {  	s1 =	rddreg [dreg:$0x0]  }
0x2: {  	s2 =	srdreg.scid;
	s0 =	stileid.u32  }
0x3: {  	s9 =	rddreg [dreg:$0x1];
	s15 =	simm.s32 $0xB400;
	s16 =	simm.s32 $0x10400  }
0x4: {  	s17 =	simm.s32 $0x3340;
	s18 =	simm.s32 $0x15400;
	s19 =	simm.s32 $0x1  }
0x5: {  	s20 =	simm.s32 $0x2;
	s21 =	simm.s32 $0x40;
	s22 =	simm.s32 $0x80  }
0x6: {  	s23 =	simm.s32 $0x3;
	s24 =	simm.s32 $0x4;
	s28 =	simm.s32 $0x3480  }
0x7: {  	s29 =	simm.s32 $0x6;
	s30 =	simm.s32 $0x0;
	s7 =	sand.u32 $0x1, s2  }
0x8: {  	s3 =	sshll.u32 s0, $0x1;
	s2 =	simm.s32 $0x0;
	s10 =	sadd.s32 $0x8, s9  }
0x9: {  	s11 =	smul.u32 $0x64000, s0;
	s5 =	sor.u32 s7, s3;
	[smem:$0x7FF] =	sst s2  }
0xa: {  	s6 =	ssub.s32 $0x2, s7;
	s3 =	sadd.s32 $0xF43400, s1;
	s13 =	smul.u32 $0x32000, s7  }
0xb: {  	s4 =	smul.u32 $0xC80, s5;
	_ =	strace $0x80000047;
	s25 =	sshrl.u32 s6, $0x1  }
0xc: {  	s26 =	smul.u32 $0x32000, s5;
	s31 =	sadd.s32 s11, s9;
	s11 =	simm.s32 $0x7  }
.Ltmp0:
0xd: {  	s6 =	ssub.s32 s6, s25;
	s25 =	simm.s32 $0x5;
	(pc) =	sbr.rel .LBB2_1-.Ltmp0, $4  }
0xe: {  	s1 =	sadd.s32 s4, s1;
	s5 =	smax.u32 s6, $0x1;
	s6 =	sadd.s32 s9, s26  }
0xf: {  	s12 =	sor.u32 $0x1400, s26;
	s7 =	sadd.s32 s26, s10;
	s26 =	simm.s32 $0x280  }
0x10: {  	s4 =	sadd.s32 $0x1000, s1;
	s8 =	sadd.s32 s9, s12;
	s9 =	sadd.s32 s12, s10  }
0x11: {  	s10 =	sadd.s32 s13, s31;
	s12 =	simm.s32 $0x140;
	s13 =	simm.s32 $0x6400  }
.LBB2_4:
0x12: {  	s30 =	sadd.s32 $0x1, s30  }
0x13: {  	_ =	swait.ge [sflag:s29], $0x5000;
	p0 =	sne.s32 s30, s5  }
.Ltmp1:
0x14: {  	[sflag:s29] =	ssyncset.done $0x0;
	(pc) =	sbr.rel @!p0 .LBB2_5-.Ltmp1, $4  }
0x15: {  	[sflag:s29] =	ssyncadd.s32 $0xFFFFB000  }
0x16: {  	_ =	swait.ge [sflag:s29], $0x5000  }
0x17: {  	[sflag:s29] =	ssyncset.done $0x0  }
0x18: {  	[sflag:s29] =	ssyncadd.s32 $0xFFFFB000  }
.LBB2_1:
0x19: {  	[tilespmem:s2], [sflag:$0x7] =	stream.linear.gather [hbm4b:s4+s2], $0x6400, $0x38;
	[tilespmem:$0x1A400] =	vst v63  }
0x1a: {  	_ =	swait.ge [sflag:s11], $0x6400  }
0x1b: {  	[sflag:s11] =	ssyncset.done $0x0  }
0x1c: {  	[sflag:s11] =	ssyncadd.s32 $0xFFFF9C00  }
0x1d: {  	[tilespmem:s13], [sflag:$0x1] =	stream.indirect.gather [hbm4b:s3+s12], $0x40, s2, s12, $0xb8;
	[tilespmem:$0x1A400] =	vst v63  }
0x1e: {  	s0 =	simm.s32 $0x3200  }
0x1f: {  	[tilespmem:s15], [sflag:$0x2] =	stream.indirect.gather [hbm4b:s3+s12], $0x40, s0, s12, $0xb8;
	[tilespmem:$0x1A400] =	vst v63  }
0x20: {  	_ = 	snop  }
0x21: {  	[tilespmem:s16], [sflag:$0x3] =	stream.indirect.gather [hbm4b:s3+s12], $0x40, s12, s12, $0xb8;
	[tilespmem:$0x1A400] =	vst v63  }
0x22: {  	_ = 	snop  }
0x23: {  	[tilespmem:s18], [sflag:$0x4] =	stream.indirect.gather [hbm4b:s3+s12], $0x40, s17, s12, $0xb8;
	[tilespmem:$0x1A400] =	vst v63  }
0x24: {  	_ =	swait.ge [sflag:s19], $0x5000  }
0x25: {  	[sflag:s19] =	ssyncset.done $0x0  }
0x26: {  	[sflag:s19] =	ssyncadd.s32 $0xFFFFB000  }
0x27: {  	_ =	swait.ge [sflag:s20], $0x5000  }
0x28: {  	[sflag:s20] =	ssyncset.done $0x0  }
0x29: {  	[sflag:s20] =	ssyncadd.s32 $0xFFFFB000  }
0x2a: {  	[hbm4b:s6+s21] =	stream.strided.scatter [tilespmem:s13], [sflag:$0x5], $0x5000, s22, s21, $0x38;
	[tilespmem:$0x1A400] =	vst v63  }
0x2b: {  	_ = 	snop  }
0x2c: {  	[hbm4b:s7+s21] =	stream.strided.scatter [tilespmem:s15], [sflag:$0x5], $0x5000, s22, s21, $0x38;
	[tilespmem:$0x1A400] =	vst v63  }
0x2d: {  	_ =	swait.ge [sflag:s23], $0x5000  }
0x2e: {  	[sflag:s23] =	ssyncset.done $0x0  }
0x2f: {  	[sflag:s23] =	ssyncadd.s32 $0xFFFFB000  }
0x30: {  	_ =	swait.ge [sflag:s24], $0x5000  }
0x31: {  	[sflag:s24] =	ssyncset.done $0x0  }
0x32: {  	[sflag:s24] =	ssyncadd.s32 $0xFFFFB000  }
0x33: {  	[hbm4b:s8+s21] =	stream.strided.scatter [tilespmem:s16], [sflag:$0x6], $0x5000, s22, s21, $0x38;
	[tilespmem:$0x1A400] =	vst v63  }
0x34: {  	_ = 	snop  }
0x35: {  	[hbm4b:s9+s21] =	stream.strided.scatter [tilespmem:s18], [sflag:$0x6], $0x5000, s22, s21, $0x38;
	[tilespmem:$0x1A400] =	vst v63  }
0x36: {  	_ =	swait.ge [sflag:s25], $0x5000  }
0x37: {  	[sflag:s25] =	ssyncset.done $0x0  }
0x38: {  	[sflag:s25] =	ssyncadd.s32 $0xFFFFB000  }
0x39: {  	_ =	swait.ge [sflag:s25], $0x5000  }
0x3a: {  	[sflag:s25] =	ssyncset.done $0x0  }
0x3b: {  	[sflag:s25] =	ssyncadd.s32 $0xFFFFB000  }
0x3c: {  	[tilespmem:s13], [sflag:$0x1] =	stream.indirect.gather [hbm4b:s3+s12], $0x40, s26, s12, $0xb8;
	[tilespmem:$0x1A400] =	vst v63  }
0x3d: {  	s31 =	simm.s32 $0x3700;
	s1 =	simm.s32 $0x0  }
0x3e: {  	[tilespmem:s15], [sflag:$0x2] =	stream.indirect.gather [hbm4b:s3+s12], $0x40, s28, s12, $0xb8;
	[tilespmem:$0x1A400] =	vst v63  }
.LBB2_2:
0x3f: {  	_ =	swait.ge [sflag:s29], $0x5000  }
0x40: {  	[sflag:s29] =	ssyncset.done $0x0  }
0x41: {  	[sflag:s29] =	ssyncadd.s32 $0xFFFFB000  }
0x42: {  	_ =	swait.ge [sflag:s29], $0x5000  }
0x43: {  	[sflag:s29] =	ssyncset.done $0x0  }
0x44: {  	s0 =	sadd.s32 $0xFFFFCCC0, s31;
	[sflag:s29] =	ssyncadd.s32 $0xFFFFB000  }
0x45: {  	[tilespmem:s16], [sflag:$0x3] =	stream.indirect.gather [hbm4b:s3+s12], $0x40, s0, s12, $0xb8;
	[tilespmem:$0x1A400] =	vst v63  }
0x46: {  	s14 =	sadd.s32 $0xFFFFFEC0, s31  }
0x47: {  	[tilespmem:s18], [sflag:$0x4] =	stream.indirect.gather [hbm4b:s3+s12], $0x40, s14, s12, $0xb8;
	[tilespmem:$0x1A400] =	vst v63  }
0x48: {  	_ =	swait.ge [sflag:s19], $0x5000  }
0x49: {  	[sflag:s19] =	ssyncset.done $0x0  }
0x4a: {  	[sflag:s19] =	ssyncadd.s32 $0xFFFFB000  }
0x4b: {  	_ =	swait.ge [sflag:s20], $0x5000  }
0x4c: {  	s0 =	sadd.s32 s1, s10;
	[sflag:s20] =	ssyncset.done $0x0  }
0x4d: {  	s14 =	sadd.s32 $0x2800, s0;
	[sflag:s20] =	ssyncadd.s32 $0xFFFFB000  }
0x4e: {  	[hbm4b:s14+s21] =	stream.strided.scatter [tilespmem:s13], [sflag:$0x5], $0x5000, s22, s21, $0x38;
	[tilespmem:$0x1A400] =	vst v63  }
0x4f: {  	s14 =	sadd.s32 $0x2808, s0  }
0x50: {  	[hbm4b:s14+s21] =	stream.strided.scatter [tilespmem:s15], [sflag:$0x5], $0x5000, s22, s21, $0x38;
	[tilespmem:$0x1A400] =	vst v63  }
0x51: {  	_ =	swait.ge [sflag:s23], $0x5000  }
0x52: {  	[sflag:s23] =	ssyncset.done $0x0  }
0x53: {  	[sflag:s23] =	ssyncadd.s32 $0xFFFFB000  }
0x54: {  	_ =	swait.ge [sflag:s24], $0x5000  }
0x55: {  	[sflag:s24] =	ssyncset.done $0x0  }
0x56: {  	s14 =	sadd.s32 $0x3C00, s0;
	[sflag:s24] =	ssyncadd.s32 $0xFFFFB000  }
0x57: {  	[hbm4b:s14+s21] =	stream.strided.scatter [tilespmem:s16], [sflag:$0x6], $0x5000, s22, s21, $0x38;
	[tilespmem:$0x1A400] =	vst v63  }
0x58: {  	s0 =	sadd.s32 $0x3C08, s0  }
0x59: {  	[hbm4b:s0+s21] =	stream.strided.scatter [tilespmem:s18], [sflag:$0x6], $0x5000, s22, s21, $0x38;
	[tilespmem:$0x1A400] =	vst v63  }
0x5a: {  	p0 =	seq.s32 s1, $0x2D000;
	_ =	swait.ge [sflag:s25], $0x5000  }
.Ltmp2:
0x5b: {  	[sflag:s25] =	ssyncset.done $0x0;
	(pc) =	sbr.rel @p0 .LBB2_4-.Ltmp2, $4  }
0x5c: {  	[sflag:s25] =	ssyncadd.s32 $0xFFFFB000  }
0x5d: {  	_ =	swait.ge [sflag:s25], $0x5000  }
0x5e: {  	[sflag:s25] =	ssyncset.done $0x0  }
0x5f: {  	[sflag:s25] =	ssyncadd.s32 $0xFFFFB000  }
.Ltmp3:
0x60: {  	s0 =	sadd.s32 $0xFFFFCE00, s31;
	(pc) =	sbr.rel .LBB2_2-.Ltmp3, $4  }
0x61: {  	[tilespmem:s13], [sflag:$0x1] =	stream.indirect.gather [hbm4b:s3+s12], $0x40, s0, s12, $0xb8;
	[tilespmem:$0x1A400] =	vst v63  }
0x62: {  	_ = 	snop  }
0x63: {  	[tilespmem:s15], [sflag:$0x2] =	stream.indirect.gather [hbm4b:s3+s12], $0x40, s31, s12, $0xb8;
	[tilespmem:$0x1A400] =	vst v63  }
0x64: {  	s1 =	sadd.s32 $0x2800, s1;
	s31 =	sadd.s32 $0x280, s31  }
.LBB2_5:
0x65: {  	_ =	sfence.sel $0x180000  }
0x66: {  	[bflag:$0x0] =	sbarrier.arrive $0xFFFF  }
0x67: {  	_ =	strace $0x90000047  }
0x68: {  	s0 =	stileid.u32;
	[bflag:$0x2] =	sbarrier.arrive $0xFFFF  }
0x69: {  	p0 =	sne.s32 s0, $0x0;
	s0 =	rddreg [dreg:$0x2]  }
0x6a: {  	s0 =	sadd.s32 @!p0 $0x100000, s0  }
0x6b: {  	[sflag:s0] =	ssyncadd.tile.s32 @!p0 $0x1;
	_ =	shalt  }
.Lfunc_end2:
_tile_overlayer_lowered:
.L_overlay_start_2:
0x6c: {  	(tag) =	ssettag $0x2  }
0x6d: {  	s0 =	rddreg [dreg:$0x0];
	s2 =	stileid.u32  }
0x6e: {  	s1 =	rddreg [dreg:$0x1];
	p0 =	sne.s32 s2, $0x0  }
0x6f: {  	s3 =	rddreg [dreg:$0x2];
	[bflag:$0x3] =	sbarrier.arrive $0xFFFF;
	s2 =	simm.s32 @!p0 $0x1C07  }
0x70: {  	[timem:s3], [sflag:s2] =	dma.local @!p0 [hbm:s0], s1  }
0x71: {  	s0 =	simm.s32 @!p0 $0x7  }
0x72: {  	_ =	swait.ge @!p0 [sflag:s0], s1  }
0x73: {  	s1 =	ssub.s32 @!p0 $0x0, s1;
	[sflag:s0] =	ssyncset.done @!p0 $0x0  }
0x74: {  	[sflag:s0] =	ssyncadd.s32 @!p0 s1  }
0x75: {  	[bflag:$0x3] =	sbarrier.arrive $0xFFFF  }
0x76: {  	_ =	shalt  }

// kernel: sparse-core-data-format-call.cloned.1.call-start
scs
called_computation_lowered:
.L_overlay_start_0:
0x0: {  	s2 =	sld [smem:$0x3FD9]  }
0x1: {  	s3 =	sld [smem:$0x3FFE];
	_ =	sdelay $0x1  }
0x2: {  	s1 =	srdreg.scid  }
0x3: {  	s0 =	sand.u32 $0x1, s1  }
0x4: {  	s18 =	sshll.u32 s0, $0xA;
	s2 =	sadd.s32 s3, s2  }
0x5: {  	s2 =	sadd.s32 s2, s18  }
0x6: {  	[smem:$0x3FC4] =	sst s2  }
0x7: {  	_ = 	snop  }
0x8: {  	s2 =	sld [smem:$0x3FD0];
	(tm) =	ssettm $0x1  }
0x9: {  	s19 =	sld [smem:$0x3FFB];
	_ =	sdelay $0x3  }
0xa: {  	_ =	strace s19  }
0xb: {  	s3 =	sld [smem:$0x3FFC];
	_ =	sdelay $0x3  }
0xc: {  	_ =	strace s3  }
0xd: {  	s3 =	sld [smem:$0x3FFD];
	_ =	sdelay $0x3  }
0xe: {  	_ =	strace s3  }
0xf: {  	_ =	strace $0x8FFFFFFF  }
0x10: {  	s20 =	sld [smem:$0x3FDB];
	_ =	sdelay $0x1  }
0x11: {  	s4 =	simm.s32 $_scs_section_size  }
0x12: {  	s5 =	simm.s32 $_size__tile_overlayer_lowered;
	s6 =	simm.s32 $_tile_overlayer_lowered  }
0x13: {  	s23 =	simm.s32 $0x1BFF;
	s22 =	sshll.u32 s6, $0x1;
	s3 =	sadd.s32 s4, s20  }
0x14: {  	s7 =	simm.s32 $0x0;
	s21 =	sshll.u32 s5, $0x1;
	s5 =	sadd.s32 s22, s3  }
0x15: {  	[timem:s7], [sflag:s23] =	dma.local [hbm:s5], s21  }
0x16: {  	_ =	swait.ge [sflag:s23], s21  }
0x17: {  	s4 =	ssub.s32 $0x0, s21;
	[sflag:s23] =	ssyncset.done $0x0  }
0x18: {  	[sflag:s23] =	ssyncadd.s32 s4;
	_ =	sdelay $0x1  }
0x19: {  	s24 =	simm.s32 $0x1B8B  }
0x1a: {  	_ =	swait.ge [sflag:s24], $0x1  }
0x1b: {  	[sflag:s24] =	ssyncset.done $0x0  }
0x1c: {  	s26 =	simm.s32 $0x1B8E;
	s25 =	sld [smem:$0x3FFE];
	[sflag:s24] =	ssyncadd.s32 $0xFFFFFFFF  }
0x1d: {  	s27 =	simm.s32 $execute0_lowered;
	[smem:$0x3FD2] =	sst s26  }
0x1e: {  	s5 =	sshll.u32 s27, $0x1;
	_ =	strace $0x80000049;
	[dreg:$0x1] =	wrdreg $0xFFFFFFFF  }
0x1f: {  	s28 =	simm.s32 $_size_execute0_lowered;
	s3 =	sadd.s32 s3, s5;
	[dreg:$0x0] =	wrdreg $0x0  }
0x20: {  	s5 =	sshll.u32 s28, $0x1;
	[dreg:$0x2] =	wrdreg s3  }
0x21: {  	[dreg:$0x3] =	wrdreg s5  }
0x22: {  	[dreg:$0x4] =	wrdreg $0xC0  }
0x23: {  	_ =	task [dreg:s7], $0x5FFFF  }
0x24: {  	[dreg:$0x1] =	wrdreg $0xFFFFFFFF  }
0x25: {  	[dreg:$0x0] =	wrdreg $0x60  }
0x26: {  	[dreg:$0x2] =	wrdreg s25  }
0x27: {  	[dreg:$0x3] =	wrdreg s2  }
0x28: {  	[dreg:$0x4] =	wrdreg $0x9  }
0x29: {  	_ =	task.clear_ibuf [dreg:s7], $0x5FFFF;
	_ =	strace $0x90000049  }
0x2a: {  	s29 =	simm.s32 $0x9;
	_ =	strace $0x8000004B  }
0x2b: {  	_ =	swait.ge [sflag:s29], $0x1  }
0x2c: {  	[sflag:s29] =	ssyncadd.s32 $0xFFFFFFFF  }
0x2d: {  	_ =	strace $0x9000004B  }
0x2e: {  	_ =	sfence  }
0x2f: {  	s30 =	sld [smem:$0x0];
	_ =	sdelay $0x2  }
0x30: {  	s31 =	sshll.u32 s1, $0xD;
	s1 =	sshrl.u32 s1, $0x2  }
0x31: {  	s3 =	sand.u32 $0x4000, s31;
	s1 =	sadd.s32 s1, s30  }
0x32: {  	s0 =	sor.u32 s3, s0;
	s1 =	sshll.u32 s1, $0x11  }
0x33: {  	s0 =	sor.u32 s1, s0  }
0x34: {  	s0 =	sadd.s32 $0x8F2B, s0  }
0x35: {  	[sflag:s0] =	ssyncadd.remote.s32 $0x1  }
0x36: {  	_ =	sfence.sel $0xFFFF  }
0x37: {  	[dreg:$0x0] =	wrdreg $0xFFFFFFFF;
	(pc) =	sbr.abs _section_cstart, $3  }
0x38: {  	[dreg:$0x1] =	wrdreg $0xFFFFFFFF  }
0x39: {  	_ =	task.clear_ibuf [dreg:s7], $0x2FFFF;
	_ =	strace $0x9FFFFFFF  }
0x3a: {  	(tm) =	ssettm $0x7FFFFFFF  }
0x3b: {  	_ =	shalt  }
tec
execute0_lowered:
.L_overlay_start_1:
0x0: {  	(tag) =	ssettag $0x1  }
0x1: {  	s0 =	srdreg.scid  }
0x2: {  	s1 =	sshll.u32 s0, $0x4  }
0x3: {  	s0 =	stileid.u32;
	s1 =	sand.u32 $0x10, s1  }
0x4: {  	s1 =	sor.u32 s0, s1  }
0x5: {  	s6 =	rddreg [dreg:$0x0];
	s4 =	simm.s32 $0x1;
	s2 =	sshll.u32 s1, $0x7  }
0x6: {  	s7 =	simm.s32 $0x2;
	s12 =	simm.s32 $0x0;
	s1 =	ssub.s32 $0x1000, s2  }
0x7: {  	s8 =	simm.s32 $0x8000;
	s13 =	simm.s32 $0x0;
	s3 =	sand.u32 $0xF80, s1  }
0x8: {  	s9 =	simm.s32 $0x0;
	s5 =	sshrl.u32 s1, $0xC;
	p0 =	sne.s32 s3, $0x0  }
.Ltmp0:
0x9: {  	s1 =	rddreg [dreg:$0x2];
	s4 =	simm.s32 @!p0 $0x0;
	(pc) =	sbr.rel .LBB1_1-.Ltmp0, $4  }
0xa: {  	s11 =	simm.s32 $0x0;
	s3 =	rddreg [dreg:$0x1];
	s5 =	sadd.s32 s4, s5  }
0xb: {  	_ =	strace $0x8000004A;
	s4 =	simm.s32 $0x1;
	s5 =	smul.u32 $0xC8, s5  }
0xc: {  	s6 =	sadd.s32 $0x1000, s6;
	s10 =	smov.u32 s2;
	[sflag:s4] =	ssyncpa.u1 $0x0  }
0xd: {  	p0 =	por $0x0, $0x0;
	[sflag:s7] =	ssyncpa.u1 $0x0;
	s7 =	sor.u32 $0x1, s5  }
.LBB1_4:
0xe: {  	s16 =	sshll.u32 s13, $0x3;
	s17 =	sand.u32 $0x78, s13  }
0xf: {  	s30 =	sand.u32 $0x7E00, s13;
	s12 =	sshll.u32 s12, $0xF;
	s16 =	sand.u32 $0xC00, s16  }
0x10: {  	[tilespmem:s15+$0x810 ss:$0x81] =	vst.msk $0xffff, v2;
	s31 =	sand.u32 $0x7, s13;
	s16 =	sor.u32 s17, s16;
	s17 =	sadd.s32 s3, s30  }
0x11: {  	[tilespmem:s15+$0x1020 ss:$0x81] =	vst.msk $0xffff, v0;
	s13 =	sshll.u32 s31, $0x12;
	s12 =	sadd.s32 s12, s17;
	s16 =	sshrl.u32 s16, $0x3  }
0x12: {  	[tilespmem:s15+$0x0 ss:$0x81] =	vst.msk $0xffff, v1;
	s13 =	sor.u32 $0x400, s13;
	s12 =	sadd.s32 s16, s12  }
0x13: {  	[hbm4b:s12+s13] =	stream.strided.scatter [tilespmem:s14], [sflag:$0x2], $0x2000, s8, s13, $0x20;
	[tilespmem:$0x8080] =	vst v63  }
.LBB1_5:
0x14: {  	s14 =	sadd.s32 $0x1, s9  }
0x15: {  	s12 =	sadd.s32 $0x1000, s10;
	s16 =	smov.u32 s10;
	p2 =	sgt.s32 s14, $0xC7  }
0x16: {  	s16 =	smov.u32 @p2 s12  }
0x17: {  	s14 =	simm.s32 @p2 $0x0;
	p2 =	sgt.s32 s16, $0xFFF  }
0x18: {  	s16 =	smov.u32 @p2 s2;
	p2 =	sne.s32 s11, s7  }
.Ltmp1:
0x19: {  	p1 =	slt.u32 s11, $0x2;
	(pc) =	sbr.rel @!p2 .LBB1_6-.Ltmp1, $4  }
0x1a: {  	s15 =	simm.s32 @!p1 $0x2  }
0x1b: {  	s13 =	smov.u32 s10;
	p0 =	por !p0, !p0;
	_ =	swait.ge @!p1 [sflag:s15], $0x2000  }
0x1c: {  	s12 =	smov.u32 s9;
	[sflag:s15] =	ssyncset.done @!p1 $0x0;
	s9 =	smov.u32 s14  }
0x1d: {  	s11 =	sadd.s32 $0x1, s11;
	[sflag:s15] =	ssyncadd.s32 @!p1 $0xFFFFE000;
	s10 =	smov.u32 s16  }
.LBB1_1:
0x1e: {  	p1 =	sge.u32 s11, s5  }
0x1f: {  	s14 =	sand.u32 @!p1 $0x1FFFFFF, s9  }
0x20: {  	s15 =	smulhi.u32 @!p1 $0x147AE15, s14;
	_ =	sdelay $0x1  }
0x21: {  	s15 =	smul.u32 @!p1 $0xC8, s15  }
0x22: {  	s16 =	sxor.u32 @!p1 $0xFFFFFFFF, s11;
	s17 =	smul.u32 @!p1 $0xC80, s10  }
0x23: {  	s31 =	sadd.s32 $0xFFFFFFFF, s11;
	s16 =	sshll.u32 @!p1 s16, $0xD;
	s14 =	ssub.s32 @!p1 s14, s15  }
0x24: {  	s15 =	sand.u32 @!p1 $0x2000, s16;
	s16 =	sadd.s32 @!p1 s6, s17;
	s14 =	sshll.u32 @!p1 s14, $0x4  }
0x25: {  	s17 =	simm.s32 @!p1 $0x6400;
	s14 =	sadd.s32 @!p1 s14, s16;
	s16 =	simm.s32 @!p1 $0x40  }
0x26: {  	[tilespmem:s15], [sflag:$0x1] =	stream.strided.gather @!p1 [hbm4b:s14+s16], $0x2000, s17, s16, $0x38;
	[tilespmem:$0x8080] =	vst v63  }
0x27: {  	p1 =	sge.u32 s31, s5  }
.Ltmp2:
0x28: {  	_ = 	snop;
	(pc) =	sbr.rel @p1 .LBB1_5-.Ltmp2, $1  }
0x29: {  	_ =	sdelay $0x3  }
0x2a: {  	s14 =	simm.s32 $0x1  }
0x2b: {  	_ =	swait.ge [sflag:s4], $0x2000;
	s14 =	simm.s32 @!p0 $0x0  }
0x2c: {  	[sflag:s4] =	ssyncset.done $0x0;
	s15 =	sshll.u32 s14, $0xD  }
0x2d: {  	[sflag:s4] =	ssyncadd.s32 $0xFFFFE000;
	s18 =	sor.u32 $0x20, s15  }
0x2e: {  	s14 =	smul.u32 $0x8100, s14;
	v3 =	vld [tilespmem:s18+$0x10]  }
0x2f: {  	s30 =	sand.u32 $0x1, s11;
	v2 =	vld [tilespmem:s18+$0xFFFFFFF0]  }
0x30: {  	s15 =	smul.u32 $0x8100, s30;
	s14 =	sshrl.u32 s14, $0x2;
	v0 =	vld [tilespmem:s18+$0x0]  }
0x31: {  	v1 =	vld [tilespmem:s18+$0xFFFFFFE0];
	s16 =	sor.u32 $0x4000, s14  }
0x32: {  	s31 =	sshrl.u32 s15, $0x2;
	s15 =	sadd.s32 $0x0, s16  }
0x33: {  	s17 =	simm.s32 $0x4;
	s18 =	sadd.s32 $0x40, s18;
	s14 =	sor.u32 $0x4000, s31;
	[tilespmem:s15+$0x1830 ss:$0x81] =	vst.msk $0xffff, v3  }
.LBB1_3:
0x34: {  	v3 =	vld [tilespmem:s18+$0x10];
	p1 =	sne.s32 s17, $0x1FC;
	[tilespmem:s15+$0x810 ss:$0x81] =	vst.msk $0xffff, v2;
	s19 =	smov.u32 s17;
	s17 =	sadd.s32 $0x4, s17  }
.Ltmp3:
0x35: {  	v2 =	vld [tilespmem:s18+$0xFFFFFFF0];
	[tilespmem:s15+$0x1020 ss:$0x81] =	vst.msk $0xffff, v0;
	(pc) =	sbr.rel @p1 .LBB1_3-.Ltmp3, $4  }
0x36: {  	v0 =	vld [tilespmem:s18+$0x0];
	[tilespmem:s15+$0x0 ss:$0x81] =	vst.msk $0xffff, v1  }
0x37: {  	s15 =	sshra.s32 s19, $0x2;
	v1 =	vld [tilespmem:s18+$0xFFFFFFE0]  }
0x38: {  	s15 =	sadd.s32 s15, s16  }
0x39: {  	s18 =	sadd.s32 $0x40, s18;
	[tilespmem:s15+$0x1830 ss:$0x81] =	vst.msk $0xffff, v3  }
.Ltmp4:
0x3a: {  	_ = 	snop;
	(pc) =	sbr.rel .LBB1_4-.Ltmp4, $1  }
0x3b: {  	_ =	sdelay $0x3  }
.LBB1_6:
0x3c: {  	_ =	sfence.sel $0x180000  }
0x3d: {  	s2 =	simm.s32 $0x1;
	[bflag:$0x0] =	sbarrier.arrive $0xFFFF  }
0x3e: {  	s31 =	simm.s32 $0x2;
	[sflag:s2] =	ssyncpa.u1 $0x1  }
0x3f: {  	[sflag:s31] =	ssyncpa.u1 $0x1  }
0x40: {  	p0 =	sne.s32 s0, $0x0;
	_ =	strace $0x9000004A  }
0x41: {  	s0 =	sadd.s32 @!p0 $0x100000, s1;
	[bflag:$0x2] =	sbarrier.arrive $0xFFFF  }
0x42: {  	[sflag:s0] =	ssyncadd.tile.s32 @!p0 $0x1;
	_ =	shalt  }
.Lfunc_end1:
_tile_overlayer_lowered:
.L_overlay_start_2:
0x43: {  	(tag) =	ssettag $0x2  }
0x44: {  	s0 =	rddreg [dreg:$0x0];
	s2 =	stileid.u32  }
0x45: {  	s1 =	rddreg [dreg:$0x1];
	p0 =	sne.s32 s2, $0x0  }
0x46: {  	s3 =	rddreg [dreg:$0x2];
	[bflag:$0x3] =	sbarrier.arrive $0xFFFF;
	s2 =	simm.s32 @!p0 $0x1C01  }
0x47: {  	[timem:s3], [sflag:s2] =	dma.local @!p0 [hbm:s0], s1  }
0x48: {  	s0 =	simm.s32 @!p0 $0x1  }
0x49: {  	_ =	swait.ge @!p0 [sflag:s0], s1  }
0x4a: {  	s1 =	ssub.s32 @!p0 $0x0, s1;
	[sflag:s0] =	ssyncset.done @!p0 $0x0  }
0x4b: {  	[sflag:s0] =	ssyncadd.s32 @!p0 s1  }
0x4c: {  	[bflag:$0x3] =	sbarrier.arrive $0xFFFF  }
0x4d: {  	_ =	shalt  }

</sc_bundles>
